<compile_context>
chip_gen: v7x
topology: tpu7x:2x2x1
jax: 0.10.2.dev20260603
libtpu: 0.0.44.dev20260713+nightly
codegen_flags: <defaults>
</compile_context>

<pallas_src>
import functools

import jax
import jax.numpy as jnp
from jax import lax
from jax.experimental import pallas as pl
from jax.experimental.pallas import tpu as pltpu
from jax.experimental.pallas import tpu_sc as plsc

BATCH = 32
NT = 2048
TEXT_DIM = 512
LANES = 16
NUM_CORES = 2
NUM_SUBCORES = 16
CHUNK = 16
NSLOT = 8
LEAD = 7
NCHUNK = NT // CHUNK
NSTEP = NCHUNK // NSLOT


def _sc_embed(text, seq_len_vec, table):
    mesh = plsc.VectorSubcoreMesh(
        core_axis_name="c", subcore_axis_name="s",
        num_cores=NUM_CORES, num_subcores=NUM_SUBCORES,
    )

    @functools.partial(
        pl.kernel,
        out_type=jax.ShapeDtypeStruct((BATCH, NT, TEXT_DIM), jnp.float32),
        mesh=mesh,
        scratch_types=[
            pltpu.VMEM((NT,), jnp.int32),
            pltpu.VMEM((LANES,), jnp.int32),
            [pltpu.VMEM((CHUNK, TEXT_DIM), jnp.float32) for _ in range(NSLOT)],
            [pltpu.SemaphoreType.DMA for _ in range(NSLOT)],
            [pltpu.SemaphoreType.DMA for _ in range(NSLOT)],
        ],
    )
    def k(text_hbm, slv_hbm, table_hbm, out_hbm,
          idx_v, slv_v, rows, sem_g, sem_w):
        wid = lax.axis_index("s") * NUM_CORES + lax.axis_index("c")

        pltpu.sync_copy(text_hbm.at[wid], idx_v)
        pltpu.sync_copy(slv_hbm, slv_v)
        sl = slv_v[...]

        def prep(i, carry):
            base = pl.multiple_of(i * LANES, LANES)
            v = idx_v[pl.ds(base, LANES)]
            col = lax.iota(jnp.int32, LANES) + i * LANES
            idx_v[pl.ds(base, LANES)] = jnp.where(col < sl, v + 1, 0)
            return carry

        lax.fori_loop(0, NT // LANES, prep, 0)

        def chunk_src(c):
            return table_hbm.at[idx_v.at[pl.ds(pl.multiple_of(c * CHUNK, CHUNK), CHUNK)]]

        def chunk_dst(c):
            return out_hbm.at[wid, pl.ds(pl.multiple_of(c * CHUNK, CHUNK), CHUNK)]

        def fire_gather(c, s):
            pltpu.async_copy(chunk_src(c), rows[s], sem_g[s])

        def wait_gather(s):
            pltpu.make_async_copy(chunk_src(0), rows[s], sem_g[s]).wait()

        def fire_wb(c, s):
            pltpu.async_copy(rows[s], chunk_dst(c), sem_w[s])

        def wait_wb(s):
            pltpu.make_async_copy(rows[s], chunk_dst(0), sem_w[s]).wait()

        for s in range(LEAD):
            fire_gather(s, s)

        def step(g, carry):
            for s in range(NSLOT):
                c = g * NSLOT + s
                wait_gather(s)
                fire_wb(c, s)

                @pl.when(c + LEAD < NCHUNK)
                def _(c=c, s=s):
                    ns = (s + LEAD) % NSLOT

                    @pl.when(c + LEAD >= NSLOT)
                    def _():
                        wait_wb(ns)

                    fire_gather(c + LEAD, ns)
            return carry

        lax.fori_loop(0, NSTEP, step, 0)

        for s in range(NSLOT):
            wait_wb(s)

    return k(text, seq_len_vec, table)


def kernel(text, seq_len, text_embed_weight):
    text_i32 = text.astype(jnp.int32)
    slv = jnp.full((LANES,), seq_len, dtype=jnp.int32)
    return _sc_embed(text_i32, slv, text_embed_weight)

# --- scband reference (transcript-rebuilt; emitter-appended) ---
"""Pipeline reference for scband-text-embedding-16681652978415 (READ-ONLY COPY).

The authoritative reference and input builder live on the scoring server;
editing this copy changes nothing except your own understanding.
"""

import jax, jax.numpy as jnp
import numpy as np

BATCH = 32
NT = 2048
SEQ_LEN = 2048
VOCAB = 1000
TEXT_DIM = 512


def setup_inputs(seed: int = 0) -> dict:
    key = jax.random.key(seed)
    k1, k2 = jax.random.split(key)
    text = jax.random.randint(k1, (BATCH, NT), 0, VOCAB, dtype=jnp.int64 if jax.config.jax_enable_x64 else jnp.int32)
    # embedding table: text_num_embeds + 1 rows (row 0 is padding after +1 shift)
    text_embed_weight = jax.random.normal(k2, (VOCAB + 1, TEXT_DIM), dtype=jnp.float32)
    return {"text": text, "seq_len": SEQ_LEN, "text_embed_weight": text_embed_weight}


def reference(text, seq_len, text_embed_weight):
    # text = text + 1  (shift so 0 becomes the padding index)
    t = text + 1
    # truncate to seq_len (static bound from known constant / array shape)
    static_len = min(SEQ_LEN, t.shape[1])
    t = t[:, :static_len]
    # pad on the right with value 0 up to seq_len
    pad_amt = SEQ_LEN - static_len
    t = jnp.pad(t, ((0, 0), (0, pad_amt)), constant_values=0)
    # fold in traced seq_len: positions at/after seq_len take padding value 0
    cols = jnp.arange(SEQ_LEN)
    t = jnp.where(cols[None, :] < seq_len, t, 0)
    # mask_padding=True: mask computed (unused downstream since conv_layers=0,
    # average_upsampling=False) -- kept for faithfulness
    text_mask = (t == 0)
    # drop_text=False -> no zeroing
    # embedding lookup
    out = jnp.take(text_embed_weight, t, axis=0)
    return out

if __name__ == "__main__":
    import jax
    _d = setup_inputs()
    print(jax.jit(kernel)(*tuple(_d.values())))

</pallas_src>

<mosaic_0001>
#map = affine_map<(d0, d1) -> (0, 0)>
#map1 = affine_map<(d0, d1) -> (0)>
#map2 = affine_map<(d0, d1) -> (0, 0, 0)>
module attributes {stable_mosaic.version = 14 : i64} {
  func.func @k(%arg0: i32, %arg1: i32, %arg2: memref<32x2048xi32, #tpu.memory_space<hbm>>, %arg3: memref<16xi32, #tpu.memory_space<hbm>>, %arg4: memref<1001x512xf32, #tpu.memory_space<hbm>>, %arg5: memref<32x2048x512xf32, #tpu.memory_space<hbm>>, %arg6: memref<2048xi32, #tpu.memory_space<vmem>>, %arg7: memref<16xi32, #tpu.memory_space<vmem>>, %arg8: memref<16x512xf32, #tpu.memory_space<vmem>>, %arg9: memref<16x512xf32, #tpu.memory_space<vmem>>, %arg10: memref<16x512xf32, #tpu.memory_space<vmem>>, %arg11: memref<16x512xf32, #tpu.memory_space<vmem>>, %arg12: memref<16x512xf32, #tpu.memory_space<vmem>>, %arg13: memref<16x512xf32, #tpu.memory_space<vmem>>, %arg14: memref<16x512xf32, #tpu.memory_space<vmem>>, %arg15: memref<16x512xf32, #tpu.memory_space<vmem>>, %arg16: memref<!tpu.dma_semaphore, #tpu.memory_space<semaphore_mem>>, %arg17: memref<!tpu.dma_semaphore, #tpu.memory_space<semaphore_mem>>, %arg18: memref<!tpu.dma_semaphore, #tpu.memory_space<semaphore_mem>>, %arg19: memref<!tpu.dma_semaphore, #tpu.memory_space<semaphore_mem>>, %arg20: memref<!tpu.dma_semaphore, #tpu.memory_space<semaphore_mem>>, %arg21: memref<!tpu.dma_semaphore, #tpu.memory_space<semaphore_mem>>, %arg22: memref<!tpu.dma_semaphore, #tpu.memory_space<semaphore_mem>>, %arg23: memref<!tpu.dma_semaphore, #tpu.memory_space<semaphore_mem>>, %arg24: memref<!tpu.dma_semaphore, #tpu.memory_space<semaphore_mem>>, %arg25: memref<!tpu.dma_semaphore, #tpu.memory_space<semaphore_mem>>, %arg26: memref<!tpu.dma_semaphore, #tpu.memory_space<semaphore_mem>>, %arg27: memref<!tpu.dma_semaphore, #tpu.memory_space<semaphore_mem>>, %arg28: memref<!tpu.dma_semaphore, #tpu.memory_space<semaphore_mem>>, %arg29: memref<!tpu.dma_semaphore, #tpu.memory_space<semaphore_mem>>, %arg30: memref<!tpu.dma_semaphore, #tpu.memory_space<semaphore_mem>>, %arg31: memref<!tpu.dma_semaphore, #tpu.memory_space<semaphore_mem>>) attributes {dimension_semantics = [#tpu.dimension_semantics<core_parallel>, #tpu.dimension_semantics<subcore_parallel>], iteration_bounds = array<i64: 2, 16>, scalar_prefetch = 0 : i64, scratch_operands = 26 : i64, tpu.core_type = #tpu.core_type<sc_vector_subcore>, window_params = [{transform_indices = #map}, {transform_indices = #map1}, {transform_indices = #map}, {transform_indices = #map2}]} {
    %mul3A = arith.constant 2 : i32
    %mul3A_0 = arith.muli %arg1, %mul3A : i32
    %add3A = arith.addi %mul3A_0, %arg0 : i32
    "tpu.region"() ({
      %run_scoped3A = tpu.sem_alloc : memref<!tpu.dma_semaphore, #tpu.memory_space<semaphore_mem>>
      %dma_start3A_117 = arith.constant 0 : i32
      %dma_start3A_118 = tpu.memref_slice %arg2[%add3A, %dma_start3A_117] : memref<32x2048xi32, #tpu.memory_space<hbm>> -> memref<1x2048xi32, #tpu.memory_space<hbm>>
      %dma_start3A_119 = tpu.memref_squeeze %dma_start3A_118 : memref<1x2048xi32, #tpu.memory_space<hbm>> -> memref<2048xi32, #tpu.memory_space<hbm>>
      %dma_start3A_120 = arith.constant 0 : i32
      %dma_start3A_121 = tpu.memref_slice %arg2[%add3A, %dma_start3A_120] : memref<32x2048xi32, #tpu.memory_space<hbm>> -> memref<1x2048xi32, #tpu.memory_space<hbm>>
      %dma_start3A_122 = tpu.memref_squeeze %dma_start3A_121 : memref<1x2048xi32, #tpu.memory_space<hbm>> -> memref<2048xi32, #tpu.memory_space<hbm>>
      tpu.enqueue_dma source(%dma_start3A_122 : memref<2048xi32, #tpu.memory_space<hbm>>) target(%arg6 : memref<2048xi32, #tpu.memory_space<vmem>>) target_semaphore(%run_scoped3A : memref<!tpu.dma_semaphore, #tpu.memory_space<semaphore_mem>>)
      %dma_wait3A_123 = arith.constant 0 : i32
      %dma_wait3A_124 = tpu.memref_slice %arg2[%add3A, %dma_wait3A_123] : memref<32x2048xi32, #tpu.memory_space<hbm>> -> memref<1x2048xi32, #tpu.memory_space<hbm>>
      %dma_wait3A_125 = tpu.memref_squeeze %dma_wait3A_124 : memref<1x2048xi32, #tpu.memory_space<hbm>> -> memref<2048xi32, #tpu.memory_space<hbm>>
      %dma_wait3A_126 = arith.constant 0 : i32
      %dma_wait3A_127 = tpu.memref_slice %arg2[%add3A, %dma_wait3A_126] : memref<32x2048xi32, #tpu.memory_space<hbm>> -> memref<1x2048xi32, #tpu.memory_space<hbm>>
      %dma_wait3A_128 = tpu.memref_squeeze %dma_wait3A_127 : memref<1x2048xi32, #tpu.memory_space<hbm>> -> memref<2048xi32, #tpu.memory_space<hbm>>
      tpu.wait_dma2 semaphore(%run_scoped3A : memref<!tpu.dma_semaphore, #tpu.memory_space<semaphore_mem>>) src(%dma_wait3A_128 : memref<2048xi32, #tpu.memory_space<hbm>>) dst(%arg6 : memref<2048xi32, #tpu.memory_space<vmem>>)
      tpu.yield
    }) : () -> ()
    "tpu.region"() ({
      %run_scoped3A = tpu.sem_alloc : memref<!tpu.dma_semaphore, #tpu.memory_space<semaphore_mem>>
      tpu.enqueue_dma source(%arg3 : memref<16xi32, #tpu.memory_space<hbm>>) target(%arg7 : memref<16xi32, #tpu.memory_space<vmem>>) target_semaphore(%run_scoped3A : memref<!tpu.dma_semaphore, #tpu.memory_space<semaphore_mem>>)
      tpu.wait_dma2 semaphore(%run_scoped3A : memref<!tpu.dma_semaphore, #tpu.memory_space<semaphore_mem>>) src(%arg3 : memref<16xi32, #tpu.memory_space<hbm>>) dst(%arg7 : memref<16xi32, #tpu.memory_space<vmem>>)
      tpu.yield
    }) : () -> ()
    %get3A = arith.constant 0 : index
    %get3A_1 = tpu.vector_load %arg7[%get3A] {strides = array<i32>} : memref<16xi32, #tpu.memory_space<vmem>>, vector<16xi32>,
    %get3A_2 = vector.shape_cast %get3A_1 : vector<16xi32> to vector<16xi32>
    %scan3A = arith.constant 0 : i32
    %scan3A_3 = arith.constant 0 : i32
    %scan3A_4 = arith.constant 128 : i32
    %scan3A_5 = arith.addi %scan3A_3, %scan3A_4 : i32
    %scan3A_6 = arith.constant 1 : i32
    scf.for %scan3A_117 = %scan3A_3 to %scan3A_5 step %scan3A_6  : i32 {
      %mul3A_118 = arith.constant 16 : i32
      %mul3A_119 = arith.muli %scan3A_117, %mul3A_118 : i32
      %multiple_of3A_120 = tpu.assume_multiple %mul3A_119, 16 : i32
      %get3A_121 = arith.index_cast %multiple_of3A_120 : i32 to index
      %get3A_122 = tpu.vector_load %arg6[%get3A_121] {strides = array<i32>} : memref<2048xi32, #tpu.memory_space<vmem>>, vector<16xi32>,
      %get3A_123 = vector.shape_cast %get3A_122 : vector<16xi32> to vector<16xi32>
      %iota3A = tpu.iota {dimensions = array<i32: 0>} : vector<16xi32>
      %mul3A_124 = arith.constant 16 : i32
      %mul3A_125 = arith.muli %scan3A_117, %mul3A_124 : i32
      %add3A_126 = vector.broadcast %mul3A_125 : i32 to vector<16xi32>
      %add3A_127 = arith.addi %iota3A, %add3A_126 : vector<16xi32>
      %lt3A = arith.cmpi slt, %add3A_127, %get3A_2 : vector<16xi32>
      %add3A_128 = arith.constant 1 : i32
      %add3A_129 = vector.broadcast %add3A_128 : i32 to vector<16xi32>
      %add3A_130 = arith.addi %get3A_123, %add3A_129 : vector<16xi32>
      %jit3A = arith.constant 0 : i32
      %broadcast_in_dim3A = vector.broadcast %jit3A : i32 to vector<16xi32>
      %select_n3A = arith.select %lt3A, %add3A_130, %broadcast_in_dim3A : vector<16xi1>, vector<16xi32>
      %swap3A = arith.index_cast %multiple_of3A_120 : i32 to index
      %swap3A_131 = tpu.vector_load %arg6[%swap3A] {strides = array<i32>} : memref<2048xi32, #tpu.memory_space<vmem>>, vector<16xi32>,
      %swap3A_132 = vector.shape_cast %swap3A_131 : vector<16xi32> to vector<16xi32>
      %swap3A_133 = vector.shape_cast %select_n3A : vector<16xi32> to vector<16xi32>
      tpu.vector_store %arg6[%swap3A], %swap3A_133 {strides = array<i32>} : memref<2048xi32, #tpu.memory_space<vmem>>, vector<16xi32>,
    }
    %scan3A_7 = arith.constant 128 : i32
    %multiple_of3A = arith.constant 0 : i32
    %multiple_of3A_8 = tpu.assume_multiple %multiple_of3A, 16 : i32
    %dma_start3A = tpu.memref_slice %arg6[%multiple_of3A_8] : memref<2048xi32, #tpu.memory_space<vmem>> -> memref<16xi32, #tpu.memory_space<vmem>>
    %dma_start3A_9 = arith.constant 0 : i32
    %dma_start3A_10 = arith.constant 0 : i32
    %dma_start3A_11 = tpu.memref_slice %arg4[%dma_start3A_9, %dma_start3A_10] : memref<1001x512xf32, #tpu.memory_space<hbm>> -> memref<1001x512xf32, #tpu.memory_space<hbm>>
    tpu.enqueue_indirect_dma source(%dma_start3A_11 : memref<1001x512xf32, #tpu.memory_space<hbm>>) target(%arg8 : memref<16x512xf32, #tpu.memory_space<vmem>>) offsets(%dma_start3A : memref<16xi32, #tpu.memory_space<vmem>>) semaphore(%arg16 : memref<!tpu.dma_semaphore, #tpu.memory_space<semaphore_mem>>)
    %multiple_of3A_12 = arith.constant 16 : i32
    %multiple_of3A_13 = tpu.assume_multiple %multiple_of3A_12, 16 : i32
    %dma_start3A_14 = tpu.memref_slice %arg6[%multiple_of3A_13] : memref<2048xi32, #tpu.memory_space<vmem>> -> memref<16xi32, #tpu.memory_space<vmem>>
    %dma_start3A_15 = arith.constant 0 : i32
    %dma_start3A_16 = arith.constant 0 : i32
    %dma_start3A_17 = tpu.memref_slice %arg4[%dma_start3A_15, %dma_start3A_16] : memref<1001x512xf32, #tpu.memory_space<hbm>> -> memref<1001x512xf32, #tpu.memory_space<hbm>>
    tpu.enqueue_indirect_dma source(%dma_start3A_17 : memref<1001x512xf32, #tpu.memory_space<hbm>>) target(%arg9 : memref<16x512xf32, #tpu.memory_space<vmem>>) offsets(%dma_start3A_14 : memref<16xi32, #tpu.memory_space<vmem>>) semaphore(%arg17 : memref<!tpu.dma_semaphore, #tpu.memory_space<semaphore_mem>>)
    %multiple_of3A_18 = arith.constant 32 : i32
    %multiple_of3A_19 = tpu.assume_multiple %multiple_of3A_18, 16 : i32
    %dma_start3A_20 = tpu.memref_slice %arg6[%multiple_of3A_19] : memref<2048xi32, #tpu.memory_space<vmem>> -> memref<16xi32, #tpu.memory_space<vmem>>
    %dma_start3A_21 = arith.constant 0 : i32
    %dma_start3A_22 = arith.constant 0 : i32
    %dma_start3A_23 = tpu.memref_slice %arg4[%dma_start3A_21, %dma_start3A_22] : memref<1001x512xf32, #tpu.memory_space<hbm>> -> memref<1001x512xf32, #tpu.memory_space<hbm>>
    tpu.enqueue_indirect_dma source(%dma_start3A_23 : memref<1001x512xf32, #tpu.memory_space<hbm>>) target(%arg10 : memref<16x512xf32, #tpu.memory_space<vmem>>) offsets(%dma_start3A_20 : memref<16xi32, #tpu.memory_space<vmem>>) semaphore(%arg18 : memref<!tpu.dma_semaphore, #tpu.memory_space<semaphore_mem>>)
    %multiple_of3A_24 = arith.constant 48 : i32
    %multiple_of3A_25 = tpu.assume_multiple %multiple_of3A_24, 16 : i32
    %dma_start3A_26 = tpu.memref_slice %arg6[%multiple_of3A_25] : memref<2048xi32, #tpu.memory_space<vmem>> -> memref<16xi32, #tpu.memory_space<vmem>>
    %dma_start3A_27 = arith.constant 0 : i32
    %dma_start3A_28 = arith.constant 0 : i32
    %dma_start3A_29 = tpu.memref_slice %arg4[%dma_start3A_27, %dma_start3A_28] : memref<1001x512xf32, #tpu.memory_space<hbm>> -> memref<1001x512xf32, #tpu.memory_space<hbm>>
    tpu.enqueue_indirect_dma source(%dma_start3A_29 : memref<1001x512xf32, #tpu.memory_space<hbm>>) target(%arg11 : memref<16x512xf32, #tpu.memory_space<vmem>>) offsets(%dma_start3A_26 : memref<16xi32, #tpu.memory_space<vmem>>) semaphore(%arg19 : memref<!tpu.dma_semaphore, #tpu.memory_space<semaphore_mem>>)
    %multiple_of3A_30 = arith.constant 64 : i32
    %multiple_of3A_31 = tpu.assume_multiple %multiple_of3A_30, 16 : i32
    %dma_start3A_32 = tpu.memref_slice %arg6[%multiple_of3A_31] : memref<2048xi32, #tpu.memory_space<vmem>> -> memref<16xi32, #tpu.memory_space<vmem>>
    %dma_start3A_33 = arith.constant 0 : i32
    %dma_start3A_34 = arith.constant 0 : i32
    %dma_start3A_35 = tpu.memref_slice %arg4[%dma_start3A_33, %dma_start3A_34] : memref<1001x512xf32, #tpu.memory_space<hbm>> -> memref<1001x512xf32, #tpu.memory_space<hbm>>
    tpu.enqueue_indirect_dma source(%dma_start3A_35 : memref<1001x512xf32, #tpu.memory_space<hbm>>) target(%arg12 : memref<16x512xf32, #tpu.memory_space<vmem>>) offsets(%dma_start3A_32 : memref<16xi32, #tpu.memory_space<vmem>>) semaphore(%arg20 : memref<!tpu.dma_semaphore, #tpu.memory_space<semaphore_mem>>)
    %multiple_of3A_36 = arith.constant 80 : i32
    %multiple_of3A_37 = tpu.assume_multiple %multiple_of3A_36, 16 : i32
    %dma_start3A_38 = tpu.memref_slice %arg6[%multiple_of3A_37] : memref<2048xi32, #tpu.memory_space<vmem>> -> memref<16xi32, #tpu.memory_space<vmem>>
    %dma_start3A_39 = arith.constant 0 : i32
    %dma_start3A_40 = arith.constant 0 : i32
    %dma_start3A_41 = tpu.memref_slice %arg4[%dma_start3A_39, %dma_start3A_40] : memref<1001x512xf32, #tpu.memory_space<hbm>> -> memref<1001x512xf32, #tpu.memory_space<hbm>>
    tpu.enqueue_indirect_dma source(%dma_start3A_41 : memref<1001x512xf32, #tpu.memory_space<hbm>>) target(%arg13 : memref<16x512xf32, #tpu.memory_space<vmem>>) offsets(%dma_start3A_38 : memref<16xi32, #tpu.memory_space<vmem>>) semaphore(%arg21 : memref<!tpu.dma_semaphore, #tpu.memory_space<semaphore_mem>>)
    %multiple_of3A_42 = arith.constant 96 : i32
    %multiple_of3A_43 = tpu.assume_multiple %multiple_of3A_42, 16 : i32
    %dma_start3A_44 = tpu.memref_slice %arg6[%multiple_of3A_43] : memref<2048xi32, #tpu.memory_space<vmem>> -> memref<16xi32, #tpu.memory_space<vmem>>
    %dma_start3A_45 = arith.constant 0 : i32
    %dma_start3A_46 = arith.constant 0 : i32
    %dma_start3A_47 = tpu.memref_slice %arg4[%dma_start3A_45, %dma_start3A_46] : memref<1001x512xf32, #tpu.memory_space<hbm>> -> memref<1001x512xf32, #tpu.memory_space<hbm>>
    tpu.enqueue_indirect_dma source(%dma_start3A_47 : memref<1001x512xf32, #tpu.memory_space<hbm>>) target(%arg14 : memref<16x512xf32, #tpu.memory_space<vmem>>) offsets(%dma_start3A_44 : memref<16xi32, #tpu.memory_space<vmem>>) semaphore(%arg22 : memref<!tpu.dma_semaphore, #tpu.memory_space<semaphore_mem>>)
    %scan3A_48 = arith.constant 0 : i32
    %scan3A_49 = arith.constant 0 : i32
    %scan3A_50 = arith.constant 16 : i32
    %scan3A_51 = arith.addi %scan3A_49, %scan3A_50 : i32
    %scan3A_52 = arith.constant 1 : i32
    scf.for %scan3A_117 = %scan3A_49 to %scan3A_51 step %scan3A_52  : i32 {
      %mul3A_118 = arith.constant 8 : i32
      %mul3A_119 = arith.muli %scan3A_117, %mul3A_118 : i32
      %add3A_120 = arith.constant 0 : i32
      %add3A_121 = arith.addi %mul3A_119, %add3A_120 : i32
      %multiple_of3A_122 = arith.constant 0 : i32
      %multiple_of3A_123 = tpu.assume_multiple %multiple_of3A_122, 16 : i32
      %dma_wait3A_124 = tpu.memref_slice %arg6[%multiple_of3A_123] : memref<2048xi32, #tpu.memory_space<vmem>> -> memref<16xi32, #tpu.memory_space<vmem>>
      %dma_wait3A_125 = arith.constant 0 : i32
      %dma_wait3A_126 = arith.constant 0 : i32
      %dma_wait3A_127 = tpu.memref_slice %arg4[%dma_wait3A_125, %dma_wait3A_126] : memref<1001x512xf32, #tpu.memory_space<hbm>> -> memref<1001x512xf32, #tpu.memory_space<hbm>>
      tpu.wait_indirect_dma semaphore(%arg16 : memref<!tpu.dma_semaphore, #tpu.memory_space<semaphore_mem>>) src(%dma_wait3A_127 : memref<1001x512xf32, #tpu.memory_space<hbm>>) dst(%arg8 : memref<16x512xf32, #tpu.memory_space<vmem>>)
      %mul3A_128 = arith.constant 16 : i32
      %mul3A_129 = arith.muli %add3A_121, %mul3A_128 : i32
      %multiple_of3A_130 = tpu.assume_multiple %mul3A_129, 16 : i32
      %dma_start3A_131 = arith.constant 0 : i32
      %dma_start3A_132 = tpu.memref_slice %arg5[%add3A, %multiple_of3A_130, %dma_start3A_131] : memref<32x2048x512xf32, #tpu.memory_space<hbm>> -> memref<1x16x512xf32, #tpu.memory_space<hbm>>
      %dma_start3A_133 = tpu.memref_squeeze %dma_start3A_132 : memref<1x16x512xf32, #tpu.memory_space<hbm>> -> memref<16x512xf32, #tpu.memory_space<hbm>>
      %dma_start3A_134 = arith.constant 0 : i32
      %dma_start3A_135 = tpu.memref_slice %arg5[%add3A, %multiple_of3A_130, %dma_start3A_134] : memref<32x2048x512xf32, #tpu.memory_space<hbm>> -> memref<1x16x512xf32, #tpu.memory_space<hbm>>
      %dma_start3A_136 = tpu.memref_squeeze %dma_start3A_135 : memref<1x16x512xf32, #tpu.memory_space<hbm>> -> memref<16x512xf32, #tpu.memory_space<hbm>>
      tpu.enqueue_dma source(%arg8 : memref<16x512xf32, #tpu.memory_space<vmem>>) target(%dma_start3A_136 : memref<16x512xf32, #tpu.memory_space<hbm>>) target_semaphore(%arg24 : memref<!tpu.dma_semaphore, #tpu.memory_space<semaphore_mem>>)
      %add3A_137 = arith.constant 7 : i32
      %add3A_138 = arith.addi %add3A_121, %add3A_137 : i32
      %lt3A = arith.constant 128 : i32
      %lt3A_139 = arith.cmpi slt, %add3A_138, %lt3A : i32
      %convert_element_type3A = arith.extui %lt3A_139 : i1 to i32
      %cond3A = arith.constant 0 : i32
      %cond3A_140 = arith.cmpi ne, %convert_element_type3A, %cond3A : i32
      scf.if %cond3A_140 {
        %add3A_323 = arith.constant 7 : i32
        %add3A_324 = arith.addi %add3A_121, %add3A_323 : i32
        %ge3A = arith.constant 8 : i32
        %ge3A_325 = arith.cmpi sge, %add3A_324, %ge3A : i32
        %convert_element_type3A_326 = arith.extui %ge3A_325 : i1 to i32
        %cond3A_327 = arith.constant 0 : i32
        %cond3A_328 = arith.cmpi ne, %convert_element_type3A_326, %cond3A_327 : i32
        scf.if %cond3A_328 {
          %multiple_of3A_338 = arith.constant 0 : i32
          %multiple_of3A_339 = tpu.assume_multiple %multiple_of3A_338, 16 : i32
          %dma_wait3A_340 = arith.constant 0 : i32
          %dma_wait3A_341 = tpu.memref_slice %arg5[%add3A, %multiple_of3A_339, %dma_wait3A_340] : memref<32x2048x512xf32, #tpu.memory_space<hbm>> -> memref<1x16x512xf32, #tpu.memory_space<hbm>>
          %dma_wait3A_342 = tpu.memref_squeeze %dma_wait3A_341 : memref<1x16x512xf32, #tpu.memory_space<hbm>> -> memref<16x512xf32, #tpu.memory_space<hbm>>
          %dma_wait3A_343 = arith.constant 0 : i32
          %dma_wait3A_344 = tpu.memref_slice %arg5[%add3A, %multiple_of3A_339, %dma_wait3A_343] : memref<32x2048x512xf32, #tpu.memory_space<hbm>> -> memref<1x16x512xf32, #tpu.memory_space<hbm>>
          %dma_wait3A_345 = tpu.memref_squeeze %dma_wait3A_344 : memref<1x16x512xf32, #tpu.memory_space<hbm>> -> memref<16x512xf32, #tpu.memory_space<hbm>>
          tpu.wait_dma2 semaphore(%arg31 : memref<!tpu.dma_semaphore, #tpu.memory_space<semaphore_mem>>) src(%arg15 : memref<16x512xf32, #tpu.memory_space<vmem>>) dst(%dma_wait3A_345 : memref<16x512xf32, #tpu.memory_space<hbm>>)
        } else {
        }
        %add3A_329 = arith.constant 7 : i32
        %add3A_330 = arith.addi %add3A_121, %add3A_329 : i32
        %mul3A_331 = arith.constant 16 : i32
        %mul3A_332 = arith.muli %add3A_330, %mul3A_331 : i32
        %multiple_of3A_333 = tpu.assume_multiple %mul3A_332, 16 : i32
        %dma_start3A_334 = tpu.memref_slice %arg6[%multiple_of3A_333] : memref<2048xi32, #tpu.memory_space<vmem>> -> memref<16xi32, #tpu.memory_space<vmem>>
        %dma_start3A_335 = arith.constant 0 : i32
        %dma_start3A_336 = arith.constant 0 : i32
        %dma_start3A_337 = tpu.memref_slice %arg4[%dma_start3A_335, %dma_start3A_336] : memref<1001x512xf32, #tpu.memory_space<hbm>> -> memref<1001x512xf32, #tpu.memory_space<hbm>>
        tpu.enqueue_indirect_dma source(%dma_start3A_337 : memref<1001x512xf32, #tpu.memory_space<hbm>>) target(%arg15 : memref<16x512xf32, #tpu.memory_space<vmem>>) offsets(%dma_start3A_334 : memref<16xi32, #tpu.memory_space<vmem>>) semaphore(%arg23 : memref<!tpu.dma_semaphore, #tpu.memory_space<semaphore_mem>>)
      } else {
      }
      %mul3A_141 = arith.constant 8 : i32
      %mul3A_142 = arith.muli %scan3A_117, %mul3A_141 : i32
      %add3A_143 = arith.constant 1 : i32
      %add3A_144 = arith.addi %mul3A_142, %add3A_143 : i32
      %multiple_of3A_145 = arith.constant 0 : i32
      %multiple_of3A_146 = tpu.assume_multiple %multiple_of3A_145, 16 : i32
      %dma_wait3A_147 = tpu.memref_slice %arg6[%multiple_of3A_146] : memref<2048xi32, #tpu.memory_space<vmem>> -> memref<16xi32, #tpu.memory_space<vmem>>
      %dma_wait3A_148 = arith.constant 0 : i32
      %dma_wait3A_149 = arith.constant 0 : i32
      %dma_wait3A_150 = tpu.memref_slice %arg4[%dma_wait3A_148, %dma_wait3A_149] : memref<1001x512xf32, #tpu.memory_space<hbm>> -> memref<1001x512xf32, #tpu.memory_space<hbm>>
      tpu.wait_indirect_dma semaphore(%arg17 : memref<!tpu.dma_semaphore, #tpu.memory_space<semaphore_mem>>) src(%dma_wait3A_150 : memref<1001x512xf32, #tpu.memory_space<hbm>>) dst(%arg9 : memref<16x512xf32, #tpu.memory_space<vmem>>)
      %mul3A_151 = arith.constant 16 : i32
      %mul3A_152 = arith.muli %add3A_144, %mul3A_151 : i32
      %multiple_of3A_153 = tpu.assume_multiple %mul3A_152, 16 : i32
      %dma_start3A_154 = arith.constant 0 : i32
      %dma_start3A_155 = tpu.memref_slice %arg5[%add3A, %multiple_of3A_153, %dma_start3A_154] : memref<32x2048x512xf32, #tpu.memory_space<hbm>> -> memref<1x16x512xf32, #tpu.memory_space<hbm>>
      %dma_start3A_156 = tpu.memref_squeeze %dma_start3A_155 : memref<1x16x512xf32, #tpu.memory_space<hbm>> -> memref<16x512xf32, #tpu.memory_space<hbm>>
      %dma_start3A_157 = arith.constant 0 : i32
      %dma_start3A_158 = tpu.memref_slice %arg5[%add3A, %multiple_of3A_153, %dma_start3A_157] : memref<32x2048x512xf32, #tpu.memory_space<hbm>> -> memref<1x16x512xf32, #tpu.memory_space<hbm>>
      %dma_start3A_159 = tpu.memref_squeeze %dma_start3A_158 : memref<1x16x512xf32, #tpu.memory_space<hbm>> -> memref<16x512xf32, #tpu.memory_space<hbm>>
      tpu.enqueue_dma source(%arg9 : memref<16x512xf32, #tpu.memory_space<vmem>>) target(%dma_start3A_159 : memref<16x512xf32, #tpu.memory_space<hbm>>) target_semaphore(%arg25 : memref<!tpu.dma_semaphore, #tpu.memory_space<semaphore_mem>>)
      %add3A_160 = arith.constant 7 : i32
      %add3A_161 = arith.addi %add3A_144, %add3A_160 : i32
      %lt3A_162 = arith.constant 128 : i32
      %lt3A_163 = arith.cmpi slt, %add3A_161, %lt3A_162 : i32
      %convert_element_type3A_164 = arith.extui %lt3A_163 : i1 to i32
      %cond3A_165 = arith.constant 0 : i32
      %cond3A_166 = arith.cmpi ne, %convert_element_type3A_164, %cond3A_165 : i32
      scf.if %cond3A_166 {
        %add3A_323 = arith.constant 7 : i32
        %add3A_324 = arith.addi %add3A_144, %add3A_323 : i32
        %ge3A = arith.constant 8 : i32
        %ge3A_325 = arith.cmpi sge, %add3A_324, %ge3A : i32
        %convert_element_type3A_326 = arith.extui %ge3A_325 : i1 to i32
        %cond3A_327 = arith.constant 0 : i32
        %cond3A_328 = arith.cmpi ne, %convert_element_type3A_326, %cond3A_327 : i32
        scf.if %cond3A_328 {
          %multiple_of3A_338 = arith.constant 0 : i32
          %multiple_of3A_339 = tpu.assume_multiple %multiple_of3A_338, 16 : i32
          %dma_wait3A_340 = arith.constant 0 : i32
          %dma_wait3A_341 = tpu.memref_slice %arg5[%add3A, %multiple_of3A_339, %dma_wait3A_340] : memref<32x2048x512xf32, #tpu.memory_space<hbm>> -> memref<1x16x512xf32, #tpu.memory_space<hbm>>
          %dma_wait3A_342 = tpu.memref_squeeze %dma_wait3A_341 : memref<1x16x512xf32, #tpu.memory_space<hbm>> -> memref<16x512xf32, #tpu.memory_space<hbm>>
          %dma_wait3A_343 = arith.constant 0 : i32
          %dma_wait3A_344 = tpu.memref_slice %arg5[%add3A, %multiple_of3A_339, %dma_wait3A_343] : memref<32x2048x512xf32, #tpu.memory_space<hbm>> -> memref<1x16x512xf32, #tpu.memory_space<hbm>>
          %dma_wait3A_345 = tpu.memref_squeeze %dma_wait3A_344 : memref<1x16x512xf32, #tpu.memory_space<hbm>> -> memref<16x512xf32, #tpu.memory_space<hbm>>
          tpu.wait_dma2 semaphore(%arg24 : memref<!tpu.dma_semaphore, #tpu.memory_space<semaphore_mem>>) src(%arg8 : memref<16x512xf32, #tpu.memory_space<vmem>>) dst(%dma_wait3A_345 : memref<16x512xf32, #tpu.memory_space<hbm>>)
        } else {
        }
        %add3A_329 = arith.constant 7 : i32
        %add3A_330 = arith.addi %add3A_144, %add3A_329 : i32
        %mul3A_331 = arith.constant 16 : i32
        %mul3A_332 = arith.muli %add3A_330, %mul3A_331 : i32
        %multiple_of3A_333 = tpu.assume_multiple %mul3A_332, 16 : i32
        %dma_start3A_334 = tpu.memref_slice %arg6[%multiple_of3A_333] : memref<2048xi32, #tpu.memory_space<vmem>> -> memref<16xi32, #tpu.memory_space<vmem>>
        %dma_start3A_335 = arith.constant 0 : i32
        %dma_start3A_336 = arith.constant 0 : i32
        %dma_start3A_337 = tpu.memref_slice %arg4[%dma_start3A_335, %dma_start3A_336] : memref<1001x512xf32, #tpu.memory_space<hbm>> -> memref<1001x512xf32, #tpu.memory_space<hbm>>
        tpu.enqueue_indirect_dma source(%dma_start3A_337 : memref<1001x512xf32, #tpu.memory_space<hbm>>) target(%arg8 : memref<16x512xf32, #tpu.memory_space<vmem>>) offsets(%dma_start3A_334 : memref<16xi32, #tpu.memory_space<vmem>>) semaphore(%arg16 : memref<!tpu.dma_semaphore, #tpu.memory_space<semaphore_mem>>)
      } else {
      }
      %mul3A_167 = arith.constant 8 : i32
      %mul3A_168 = arith.muli %scan3A_117, %mul3A_167 : i32
      %add3A_169 = arith.constant 2 : i32
      %add3A_170 = arith.addi %mul3A_168, %add3A_169 : i32
      %multiple_of3A_171 = arith.constant 0 : i32
      %multiple_of3A_172 = tpu.assume_multiple %multiple_of3A_171, 16 : i32
      %dma_wait3A_173 = tpu.memref_slice %arg6[%multiple_of3A_172] : memref<2048xi32, #tpu.memory_space<vmem>> -> memref<16xi32, #tpu.memory_space<vmem>>
      %dma_wait3A_174 = arith.constant 0 : i32
      %dma_wait3A_175 = arith.constant 0 : i32
      %dma_wait3A_176 = tpu.memref_slice %arg4[%dma_wait3A_174, %dma_wait3A_175] : memref<1001x512xf32, #tpu.memory_space<hbm>> -> memref<1001x512xf32, #tpu.memory_space<hbm>>
      tpu.wait_indirect_dma semaphore(%arg18 : memref<!tpu.dma_semaphore, #tpu.memory_space<semaphore_mem>>) src(%dma_wait3A_176 : memref<1001x512xf32, #tpu.memory_space<hbm>>) dst(%arg10 : memref<16x512xf32, #tpu.memory_space<vmem>>)
      %mul3A_177 = arith.constant 16 : i32
      %mul3A_178 = arith.muli %add3A_170, %mul3A_177 : i32
      %multiple_of3A_179 = tpu.assume_multiple %mul3A_178, 16 : i32
      %dma_start3A_180 = arith.constant 0 : i32
      %dma_start3A_181 = tpu.memref_slice %arg5[%add3A, %multiple_of3A_179, %dma_start3A_180] : memref<32x2048x512xf32, #tpu.memory_space<hbm>> -> memref<1x16x512xf32, #tpu.memory_space<hbm>>
      %dma_start3A_182 = tpu.memref_squeeze %dma_start3A_181 : memref<1x16x512xf32, #tpu.memory_space<hbm>> -> memref<16x512xf32, #tpu.memory_space<hbm>>
      %dma_start3A_183 = arith.constant 0 : i32
      %dma_start3A_184 = tpu.memref_slice %arg5[%add3A, %multiple_of3A_179, %dma_start3A_183] : memref<32x2048x512xf32, #tpu.memory_space<hbm>> -> memref<1x16x512xf32, #tpu.memory_space<hbm>>
      %dma_start3A_185 = tpu.memref_squeeze %dma_start3A_184 : memref<1x16x512xf32, #tpu.memory_space<hbm>> -> memref<16x512xf32, #tpu.memory_space<hbm>>
      tpu.enqueue_dma source(%arg10 : memref<16x512xf32, #tpu.memory_space<vmem>>) target(%dma_start3A_185 : memref<16x512xf32, #tpu.memory_space<hbm>>) target_semaphore(%arg26 : memref<!tpu.dma_semaphore, #tpu.memory_space<semaphore_mem>>)
      %add3A_186 = arith.constant 7 : i32
      %add3A_187 = arith.addi %add3A_170, %add3A_186 : i32
      %lt3A_188 = arith.constant 128 : i32
      %lt3A_189 = arith.cmpi slt, %add3A_187, %lt3A_188 : i32
      %convert_element_type3A_190 = arith.extui %lt3A_189 : i1 to i32
      %cond3A_191 = arith.constant 0 : i32
      %cond3A_192 = arith.cmpi ne, %convert_element_type3A_190, %cond3A_191 : i32
      scf.if %cond3A_192 {
        %add3A_323 = arith.constant 7 : i32
        %add3A_324 = arith.addi %add3A_170, %add3A_323 : i32
        %ge3A = arith.constant 8 : i32
        %ge3A_325 = arith.cmpi sge, %add3A_324, %ge3A : i32
        %convert_element_type3A_326 = arith.extui %ge3A_325 : i1 to i32
        %cond3A_327 = arith.constant 0 : i32
        %cond3A_328 = arith.cmpi ne, %convert_element_type3A_326, %cond3A_327 : i32
        scf.if %cond3A_328 {
          %multiple_of3A_338 = arith.constant 0 : i32
          %multiple_of3A_339 = tpu.assume_multiple %multiple_of3A_338, 16 : i32
          %dma_wait3A_340 = arith.constant 0 : i32
          %dma_wait3A_341 = tpu.memref_slice %arg5[%add3A, %multiple_of3A_339, %dma_wait3A_340] : memref<32x2048x512xf32, #tpu.memory_space<hbm>> -> memref<1x16x512xf32, #tpu.memory_space<hbm>>
          %dma_wait3A_342 = tpu.memref_squeeze %dma_wait3A_341 : memref<1x16x512xf32, #tpu.memory_space<hbm>> -> memref<16x512xf32, #tpu.memory_space<hbm>>
          %dma_wait3A_343 = arith.constant 0 : i32
          %dma_wait3A_344 = tpu.memref_slice %arg5[%add3A, %multiple_of3A_339, %dma_wait3A_343] : memref<32x2048x512xf32, #tpu.memory_space<hbm>> -> memref<1x16x512xf32, #tpu.memory_space<hbm>>
          %dma_wait3A_345 = tpu.memref_squeeze %dma_wait3A_344 : memref<1x16x512xf32, #tpu.memory_space<hbm>> -> memref<16x512xf32, #tpu.memory_space<hbm>>
          tpu.wait_dma2 semaphore(%arg25 : memref<!tpu.dma_semaphore, #tpu.memory_space<semaphore_mem>>) src(%arg9 : memref<16x512xf32, #tpu.memory_space<vmem>>) dst(%dma_wait3A_345 : memref<16x512xf32, #tpu.memory_space<hbm>>)
        } else {
        }
        %add3A_329 = arith.constant 7 : i32
        %add3A_330 = arith.addi %add3A_170, %add3A_329 : i32
        %mul3A_331 = arith.constant 16 : i32
        %mul3A_332 = arith.muli %add3A_330, %mul3A_331 : i32
        %multiple_of3A_333 = tpu.assume_multiple %mul3A_332, 16 : i32
        %dma_start3A_334 = tpu.memref_slice %arg6[%multiple_of3A_333] : memref<2048xi32, #tpu.memory_space<vmem>> -> memref<16xi32, #tpu.memory_space<vmem>>
        %dma_start3A_335 = arith.constant 0 : i32
        %dma_start3A_336 = arith.constant 0 : i32
        %dma_start3A_337 = tpu.memref_slice %arg4[%dma_start3A_335, %dma_start3A_336] : memref<1001x512xf32, #tpu.memory_space<hbm>> -> memref<1001x512xf32, #tpu.memory_space<hbm>>
        tpu.enqueue_indirect_dma source(%dma_start3A_337 : memref<1001x512xf32, #tpu.memory_space<hbm>>) target(%arg9 : memref<16x512xf32, #tpu.memory_space<vmem>>) offsets(%dma_start3A_334 : memref<16xi32, #tpu.memory_space<vmem>>) semaphore(%arg17 : memref<!tpu.dma_semaphore, #tpu.memory_space<semaphore_mem>>)
      } else {
      }
      %mul3A_193 = arith.constant 8 : i32
      %mul3A_194 = arith.muli %scan3A_117, %mul3A_193 : i32
      %add3A_195 = arith.constant 3 : i32
      %add3A_196 = arith.addi %mul3A_194, %add3A_195 : i32
      %multiple_of3A_197 = arith.constant 0 : i32
      %multiple_of3A_198 = tpu.assume_multiple %multiple_of3A_197, 16 : i32
      %dma_wait3A_199 = tpu.memref_slice %arg6[%multiple_of3A_198] : memref<2048xi32, #tpu.memory_space<vmem>> -> memref<16xi32, #tpu.memory_space<vmem>>
      %dma_wait3A_200 = arith.constant 0 : i32
      %dma_wait3A_201 = arith.constant 0 : i32
      %dma_wait3A_202 = tpu.memref_slice %arg4[%dma_wait3A_200, %dma_wait3A_201] : memref<1001x512xf32, #tpu.memory_space<hbm>> -> memref<1001x512xf32, #tpu.memory_space<hbm>>
      tpu.wait_indirect_dma semaphore(%arg19 : memref<!tpu.dma_semaphore, #tpu.memory_space<semaphore_mem>>) src(%dma_wait3A_202 : memref<1001x512xf32, #tpu.memory_space<hbm>>) dst(%arg11 : memref<16x512xf32, #tpu.memory_space<vmem>>)
      %mul3A_203 = arith.constant 16 : i32
      %mul3A_204 = arith.muli %add3A_196, %mul3A_203 : i32
      %multiple_of3A_205 = tpu.assume_multiple %mul3A_204, 16 : i32
      %dma_start3A_206 = arith.constant 0 : i32
      %dma_start3A_207 = tpu.memref_slice %arg5[%add3A, %multiple_of3A_205, %dma_start3A_206] : memref<32x2048x512xf32, #tpu.memory_space<hbm>> -> memref<1x16x512xf32, #tpu.memory_space<hbm>>
      %dma_start3A_208 = tpu.memref_squeeze %dma_start3A_207 : memref<1x16x512xf32, #tpu.memory_space<hbm>> -> memref<16x512xf32, #tpu.memory_space<hbm>>
      %dma_start3A_209 = arith.constant 0 : i32
      %dma_start3A_210 = tpu.memref_slice %arg5[%add3A, %multiple_of3A_205, %dma_start3A_209] : memref<32x2048x512xf32, #tpu.memory_space<hbm>> -> memref<1x16x512xf32, #tpu.memory_space<hbm>>
      %dma_start3A_211 = tpu.memref_squeeze %dma_start3A_210 : memref<1x16x512xf32, #tpu.memory_space<hbm>> -> memref<16x512xf32, #tpu.memory_space<hbm>>
      tpu.enqueue_dma source(%arg11 : memref<16x512xf32, #tpu.memory_space<vmem>>) target(%dma_start3A_211 : memref<16x512xf32, #tpu.memory_space<hbm>>) target_semaphore(%arg27 : memref<!tpu.dma_semaphore, #tpu.memory_space<semaphore_mem>>)
      %add3A_212 = arith.constant 7 : i32
      %add3A_213 = arith.addi %add3A_196, %add3A_212 : i32
      %lt3A_214 = arith.constant 128 : i32
      %lt3A_215 = arith.cmpi slt, %add3A_213, %lt3A_214 : i32
      %convert_element_type3A_216 = arith.extui %lt3A_215 : i1 to i32
      %cond3A_217 = arith.constant 0 : i32
      %cond3A_218 = arith.cmpi ne, %convert_element_type3A_216, %cond3A_217 : i32
      scf.if %cond3A_218 {
        %add3A_323 = arith.constant 7 : i32
        %add3A_324 = arith.addi %add3A_196, %add3A_323 : i32
        %ge3A = arith.constant 8 : i32
        %ge3A_325 = arith.cmpi sge, %add3A_324, %ge3A : i32
        %convert_element_type3A_326 = arith.extui %ge3A_325 : i1 to i32
        %cond3A_327 = arith.constant 0 : i32
        %cond3A_328 = arith.cmpi ne, %convert_element_type3A_326, %cond3A_327 : i32
        scf.if %cond3A_328 {
          %multiple_of3A_338 = arith.constant 0 : i32
          %multiple_of3A_339 = tpu.assume_multiple %multiple_of3A_338, 16 : i32
          %dma_wait3A_340 = arith.constant 0 : i32
          %dma_wait3A_341 = tpu.memref_slice %arg5[%add3A, %multiple_of3A_339, %dma_wait3A_340] : memref<32x2048x512xf32, #tpu.memory_space<hbm>> -> memref<1x16x512xf32, #tpu.memory_space<hbm>>
          %dma_wait3A_342 = tpu.memref_squeeze %dma_wait3A_341 : memref<1x16x512xf32, #tpu.memory_space<hbm>> -> memref<16x512xf32, #tpu.memory_space<hbm>>
          %dma_wait3A_343 = arith.constant 0 : i32
          %dma_wait3A_344 = tpu.memref_slice %arg5[%add3A, %multiple_of3A_339, %dma_wait3A_343] : memref<32x2048x512xf32, #tpu.memory_space<hbm>> -> memref<1x16x512xf32, #tpu.memory_space<hbm>>
          %dma_wait3A_345 = tpu.memref_squeeze %dma_wait3A_344 : memref<1x16x512xf32, #tpu.memory_space<hbm>> -> memref<16x512xf32, #tpu.memory_space<hbm>>
          tpu.wait_dma2 semaphore(%arg26 : memref<!tpu.dma_semaphore, #tpu.memory_space<semaphore_mem>>) src(%arg10 : memref<16x512xf32, #tpu.memory_space<vmem>>) dst(%dma_wait3A_345 : memref<16x512xf32, #tpu.memory_space<hbm>>)
        } else {
        }
        %add3A_329 = arith.constant 7 : i32
        %add3A_330 = arith.addi %add3A_196, %add3A_329 : i32
        %mul3A_331 = arith.constant 16 : i32
        %mul3A_332 = arith.muli %add3A_330, %mul3A_331 : i32
        %multiple_of3A_333 = tpu.assume_multiple %mul3A_332, 16 : i32
        %dma_start3A_334 = tpu.memref_slice %arg6[%multiple_of3A_333] : memref<2048xi32, #tpu.memory_space<vmem>> -> memref<16xi32, #tpu.memory_space<vmem>>
        %dma_start3A_335 = arith.constant 0 : i32
        %dma_start3A_336 = arith.constant 0 : i32
        %dma_start3A_337 = tpu.memref_slice %arg4[%dma_start3A_335, %dma_start3A_336] : memref<1001x512xf32, #tpu.memory_space<hbm>> -> memref<1001x512xf32, #tpu.memory_space<hbm>>
        tpu.enqueue_indirect_dma source(%dma_start3A_337 : memref<1001x512xf32, #tpu.memory_space<hbm>>) target(%arg10 : memref<16x512xf32, #tpu.memory_space<vmem>>) offsets(%dma_start3A_334 : memref<16xi32, #tpu.memory_space<vmem>>) semaphore(%arg18 : memref<!tpu.dma_semaphore, #tpu.memory_space<semaphore_mem>>)
      } else {
      }
      %mul3A_219 = arith.constant 8 : i32
      %mul3A_220 = arith.muli %scan3A_117, %mul3A_219 : i32
      %add3A_221 = arith.constant 4 : i32
      %add3A_222 = arith.addi %mul3A_220, %add3A_221 : i32
      %multiple_of3A_223 = arith.constant 0 : i32
      %multiple_of3A_224 = tpu.assume_multiple %multiple_of3A_223, 16 : i32
      %dma_wait3A_225 = tpu.memref_slice %arg6[%multiple_of3A_224] : memref<2048xi32, #tpu.memory_space<vmem>> -> memref<16xi32, #tpu.memory_space<vmem>>
      %dma_wait3A_226 = arith.constant 0 : i32
      %dma_wait3A_227 = arith.constant 0 : i32
      %dma_wait3A_228 = tpu.memref_slice %arg4[%dma_wait3A_226, %dma_wait3A_227] : memref<1001x512xf32, #tpu.memory_space<hbm>> -> memref<1001x512xf32, #tpu.memory_space<hbm>>
      tpu.wait_indirect_dma semaphore(%arg20 : memref<!tpu.dma_semaphore, #tpu.memory_space<semaphore_mem>>) src(%dma_wait3A_228 : memref<1001x512xf32, #tpu.memory_space<hbm>>) dst(%arg12 : memref<16x512xf32, #tpu.memory_space<vmem>>)
      %mul3A_229 = arith.constant 16 : i32
      %mul3A_230 = arith.muli %add3A_222, %mul3A_229 : i32
      %multiple_of3A_231 = tpu.assume_multiple %mul3A_230, 16 : i32
      %dma_start3A_232 = arith.constant 0 : i32
      %dma_start3A_233 = tpu.memref_slice %arg5[%add3A, %multiple_of3A_231, %dma_start3A_232] : memref<32x2048x512xf32, #tpu.memory_space<hbm>> -> memref<1x16x512xf32, #tpu.memory_space<hbm>>
      %dma_start3A_234 = tpu.memref_squeeze %dma_start3A_233 : memref<1x16x512xf32, #tpu.memory_space<hbm>> -> memref<16x512xf32, #tpu.memory_space<hbm>>
      %dma_start3A_235 = arith.constant 0 : i32
      %dma_start3A_236 = tpu.memref_slice %arg5[%add3A, %multiple_of3A_231, %dma_start3A_235] : memref<32x2048x512xf32, #tpu.memory_space<hbm>> -> memref<1x16x512xf32, #tpu.memory_space<hbm>>
      %dma_start3A_237 = tpu.memref_squeeze %dma_start3A_236 : memref<1x16x512xf32, #tpu.memory_space<hbm>> -> memref<16x512xf32, #tpu.memory_space<hbm>>
      tpu.enqueue_dma source(%arg12 : memref<16x512xf32, #tpu.memory_space<vmem>>) target(%dma_start3A_237 : memref<16x512xf32, #tpu.memory_space<hbm>>) target_semaphore(%arg28 : memref<!tpu.dma_semaphore, #tpu.memory_space<semaphore_mem>>)
      %add3A_238 = arith.constant 7 : i32
      %add3A_239 = arith.addi %add3A_222, %add3A_238 : i32
      %lt3A_240 = arith.constant 128 : i32
      %lt3A_241 = arith.cmpi slt, %add3A_239, %lt3A_240 : i32
      %convert_element_type3A_242 = arith.extui %lt3A_241 : i1 to i32
      %cond3A_243 = arith.constant 0 : i32
      %cond3A_244 = arith.cmpi ne, %convert_element_type3A_242, %cond3A_243 : i32
      scf.if %cond3A_244 {
        %add3A_323 = arith.constant 7 : i32
        %add3A_324 = arith.addi %add3A_222, %add3A_323 : i32
        %ge3A = arith.constant 8 : i32
        %ge3A_325 = arith.cmpi sge, %add3A_324, %ge3A : i32
        %convert_element_type3A_326 = arith.extui %ge3A_325 : i1 to i32
        %cond3A_327 = arith.constant 0 : i32
        %cond3A_328 = arith.cmpi ne, %convert_element_type3A_326, %cond3A_327 : i32
        scf.if %cond3A_328 {
          %multiple_of3A_338 = arith.constant 0 : i32
          %multiple_of3A_339 = tpu.assume_multiple %multiple_of3A_338, 16 : i32
          %dma_wait3A_340 = arith.constant 0 : i32
          %dma_wait3A_341 = tpu.memref_slice %arg5[%add3A, %multiple_of3A_339, %dma_wait3A_340] : memref<32x2048x512xf32, #tpu.memory_space<hbm>> -> memref<1x16x512xf32, #tpu.memory_space<hbm>>
          %dma_wait3A_342 = tpu.memref_squeeze %dma_wait3A_341 : memref<1x16x512xf32, #tpu.memory_space<hbm>> -> memref<16x512xf32, #tpu.memory_space<hbm>>
          %dma_wait3A_343 = arith.constant 0 : i32
          %dma_wait3A_344 = tpu.memref_slice %arg5[%add3A, %multiple_of3A_339, %dma_wait3A_343] : memref<32x2048x512xf32, #tpu.memory_space<hbm>> -> memref<1x16x512xf32, #tpu.memory_space<hbm>>
          %dma_wait3A_345 = tpu.memref_squeeze %dma_wait3A_344 : memref<1x16x512xf32, #tpu.memory_space<hbm>> -> memref<16x512xf32, #tpu.memory_space<hbm>>
          tpu.wait_dma2 semaphore(%arg27 : memref<!tpu.dma_semaphore, #tpu.memory_space<semaphore_mem>>) src(%arg11 : memref<16x512xf32, #tpu.memory_space<vmem>>) dst(%dma_wait3A_345 : memref<16x512xf32, #tpu.memory_space<hbm>>)
        } else {
        }
        %add3A_329 = arith.constant 7 : i32
        %add3A_330 = arith.addi %add3A_222, %add3A_329 : i32
        %mul3A_331 = arith.constant 16 : i32
        %mul3A_332 = arith.muli %add3A_330, %mul3A_331 : i32
        %multiple_of3A_333 = tpu.assume_multiple %mul3A_332, 16 : i32
        %dma_start3A_334 = tpu.memref_slice %arg6[%multiple_of3A_333] : memref<2048xi32, #tpu.memory_space<vmem>> -> memref<16xi32, #tpu.memory_space<vmem>>
        %dma_start3A_335 = arith.constant 0 : i32
        %dma_start3A_336 = arith.constant 0 : i32
        %dma_start3A_337 = tpu.memref_slice %arg4[%dma_start3A_335, %dma_start3A_336] : memref<1001x512xf32, #tpu.memory_space<hbm>> -> memref<1001x512xf32, #tpu.memory_space<hbm>>
        tpu.enqueue_indirect_dma source(%dma_start3A_337 : memref<1001x512xf32, #tpu.memory_space<hbm>>) target(%arg11 : memref<16x512xf32, #tpu.memory_space<vmem>>) offsets(%dma_start3A_334 : memref<16xi32, #tpu.memory_space<vmem>>) semaphore(%arg19 : memref<!tpu.dma_semaphore, #tpu.memory_space<semaphore_mem>>)
      } else {
      }
      %mul3A_245 = arith.constant 8 : i32
      %mul3A_246 = arith.muli %scan3A_117, %mul3A_245 : i32
      %add3A_247 = arith.constant 5 : i32
      %add3A_248 = arith.addi %mul3A_246, %add3A_247 : i32
      %multiple_of3A_249 = arith.constant 0 : i32
      %multiple_of3A_250 = tpu.assume_multiple %multiple_of3A_249, 16 : i32
      %dma_wait3A_251 = tpu.memref_slice %arg6[%multiple_of3A_250] : memref<2048xi32, #tpu.memory_space<vmem>> -> memref<16xi32, #tpu.memory_space<vmem>>
      %dma_wait3A_252 = arith.constant 0 : i32
      %dma_wait3A_253 = arith.constant 0 : i32
      %dma_wait3A_254 = tpu.memref_slice %arg4[%dma_wait3A_252, %dma_wait3A_253] : memref<1001x512xf32, #tpu.memory_space<hbm>> -> memref<1001x512xf32, #tpu.memory_space<hbm>>
      tpu.wait_indirect_dma semaphore(%arg21 : memref<!tpu.dma_semaphore, #tpu.memory_space<semaphore_mem>>) src(%dma_wait3A_254 : memref<1001x512xf32, #tpu.memory_space<hbm>>) dst(%arg13 : memref<16x512xf32, #tpu.memory_space<vmem>>)
      %mul3A_255 = arith.constant 16 : i32
      %mul3A_256 = arith.muli %add3A_248, %mul3A_255 : i32
      %multiple_of3A_257 = tpu.assume_multiple %mul3A_256, 16 : i32
      %dma_start3A_258 = arith.constant 0 : i32
      %dma_start3A_259 = tpu.memref_slice %arg5[%add3A, %multiple_of3A_257, %dma_start3A_258] : memref<32x2048x512xf32, #tpu.memory_space<hbm>> -> memref<1x16x512xf32, #tpu.memory_space<hbm>>
      %dma_start3A_260 = tpu.memref_squeeze %dma_start3A_259 : memref<1x16x512xf32, #tpu.memory_space<hbm>> -> memref<16x512xf32, #tpu.memory_space<hbm>>
      %dma_start3A_261 = arith.constant 0 : i32
      %dma_start3A_262 = tpu.memref_slice %arg5[%add3A, %multiple_of3A_257, %dma_start3A_261] : memref<32x2048x512xf32, #tpu.memory_space<hbm>> -> memref<1x16x512xf32, #tpu.memory_space<hbm>>
      %dma_start3A_263 = tpu.memref_squeeze %dma_start3A_262 : memref<1x16x512xf32, #tpu.memory_space<hbm>> -> memref<16x512xf32, #tpu.memory_space<hbm>>
      tpu.enqueue_dma source(%arg13 : memref<16x512xf32, #tpu.memory_space<vmem>>) target(%dma_start3A_263 : memref<16x512xf32, #tpu.memory_space<hbm>>) target_semaphore(%arg29 : memref<!tpu.dma_semaphore, #tpu.memory_space<semaphore_mem>>)
      %add3A_264 = arith.constant 7 : i32
      %add3A_265 = arith.addi %add3A_248, %add3A_264 : i32
      %lt3A_266 = arith.constant 128 : i32
      %lt3A_267 = arith.cmpi slt, %add3A_265, %lt3A_266 : i32
      %convert_element_type3A_268 = arith.extui %lt3A_267 : i1 to i32
      %cond3A_269 = arith.constant 0 : i32
      %cond3A_270 = arith.cmpi ne, %convert_element_type3A_268, %cond3A_269 : i32
      scf.if %cond3A_270 {
        %add3A_323 = arith.constant 7 : i32
        %add3A_324 = arith.addi %add3A_248, %add3A_323 : i32
        %ge3A = arith.constant 8 : i32
        %ge3A_325 = arith.cmpi sge, %add3A_324, %ge3A : i32
        %convert_element_type3A_326 = arith.extui %ge3A_325 : i1 to i32
        %cond3A_327 = arith.constant 0 : i32
        %cond3A_328 = arith.cmpi ne, %convert_element_type3A_326, %cond3A_327 : i32
        scf.if %cond3A_328 {
          %multiple_of3A_338 = arith.constant 0 : i32
          %multiple_of3A_339 = tpu.assume_multiple %multiple_of3A_338, 16 : i32
          %dma_wait3A_340 = arith.constant 0 : i32
          %dma_wait3A_341 = tpu.memref_slice %arg5[%add3A, %multiple_of3A_339, %dma_wait3A_340] : memref<32x2048x512xf32, #tpu.memory_space<hbm>> -> memref<1x16x512xf32, #tpu.memory_space<hbm>>
          %dma_wait3A_342 = tpu.memref_squeeze %dma_wait3A_341 : memref<1x16x512xf32, #tpu.memory_space<hbm>> -> memref<16x512xf32, #tpu.memory_space<hbm>>
          %dma_wait3A_343 = arith.constant 0 : i32
          %dma_wait3A_344 = tpu.memref_slice %arg5[%add3A, %multiple_of3A_339, %dma_wait3A_343] : memref<32x2048x512xf32, #tpu.memory_space<hbm>> -> memref<1x16x512xf32, #tpu.memory_space<hbm>>
          %dma_wait3A_345 = tpu.memref_squeeze %dma_wait3A_344 : memref<1x16x512xf32, #tpu.memory_space<hbm>> -> memref<16x512xf32, #tpu.memory_space<hbm>>
          tpu.wait_dma2 semaphore(%arg28 : memref<!tpu.dma_semaphore, #tpu.memory_space<semaphore_mem>>) src(%arg12 : memref<16x512xf32, #tpu.memory_space<vmem>>) dst(%dma_wait3A_345 : memref<16x512xf32, #tpu.memory_space<hbm>>)
        } else {
        }
        %add3A_329 = arith.constant 7 : i32
        %add3A_330 = arith.addi %add3A_248, %add3A_329 : i32
        %mul3A_331 = arith.constant 16 : i32
        %mul3A_332 = arith.muli %add3A_330, %mul3A_331 : i32
        %multiple_of3A_333 = tpu.assume_multiple %mul3A_332, 16 : i32
        %dma_start3A_334 = tpu.memref_slice %arg6[%multiple_of3A_333] : memref<2048xi32, #tpu.memory_space<vmem>> -> memref<16xi32, #tpu.memory_space<vmem>>
        %dma_start3A_335 = arith.constant 0 : i32
        %dma_start3A_336 = arith.constant 0 : i32
        %dma_start3A_337 = tpu.memref_slice %arg4[%dma_start3A_335, %dma_start3A_336] : memref<1001x512xf32, #tpu.memory_space<hbm>> -> memref<1001x512xf32, #tpu.memory_space<hbm>>
        tpu.enqueue_indirect_dma source(%dma_start3A_337 : memref<1001x512xf32, #tpu.memory_space<hbm>>) target(%arg12 : memref<16x512xf32, #tpu.memory_space<vmem>>) offsets(%dma_start3A_334 : memref<16xi32, #tpu.memory_space<vmem>>) semaphore(%arg20 : memref<!tpu.dma_semaphore, #tpu.memory_space<semaphore_mem>>)
      } else {
      }
      %mul3A_271 = arith.constant 8 : i32
      %mul3A_272 = arith.muli %scan3A_117, %mul3A_271 : i32
      %add3A_273 = arith.constant 6 : i32
      %add3A_274 = arith.addi %mul3A_272, %add3A_273 : i32
      %multiple_of3A_275 = arith.constant 0 : i32
      %multiple_of3A_276 = tpu.assume_multiple %multiple_of3A_275, 16 : i32
      %dma_wait3A_277 = tpu.memref_slice %arg6[%multiple_of3A_276] : memref<2048xi32, #tpu.memory_space<vmem>> -> memref<16xi32, #tpu.memory_space<vmem>>
      %dma_wait3A_278 = arith.constant 0 : i32
      %dma_wait3A_279 = arith.constant 0 : i32
      %dma_wait3A_280 = tpu.memref_slice %arg4[%dma_wait3A_278, %dma_wait3A_279] : memref<1001x512xf32, #tpu.memory_space<hbm>> -> memref<1001x512xf32, #tpu.memory_space<hbm>>
      tpu.wait_indirect_dma semaphore(%arg22 : memref<!tpu.dma_semaphore, #tpu.memory_space<semaphore_mem>>) src(%dma_wait3A_280 : memref<1001x512xf32, #tpu.memory_space<hbm>>) dst(%arg14 : memref<16x512xf32, #tpu.memory_space<vmem>>)
      %mul3A_281 = arith.constant 16 : i32
      %mul3A_282 = arith.muli %add3A_274, %mul3A_281 : i32
      %multiple_of3A_283 = tpu.assume_multiple %mul3A_282, 16 : i32
      %dma_start3A_284 = arith.constant 0 : i32
      %dma_start3A_285 = tpu.memref_slice %arg5[%add3A, %multiple_of3A_283, %dma_start3A_284] : memref<32x2048x512xf32, #tpu.memory_space<hbm>> -> memref<1x16x512xf32, #tpu.memory_space<hbm>>
      %dma_start3A_286 = tpu.memref_squeeze %dma_start3A_285 : memref<1x16x512xf32, #tpu.memory_space<hbm>> -> memref<16x512xf32, #tpu.memory_space<hbm>>
      %dma_start3A_287 = arith.constant 0 : i32
      %dma_start3A_288 = tpu.memref_slice %arg5[%add3A, %multiple_of3A_283, %dma_start3A_287] : memref<32x2048x512xf32, #tpu.memory_space<hbm>> -> memref<1x16x512xf32, #tpu.memory_space<hbm>>
      %dma_start3A_289 = tpu.memref_squeeze %dma_start3A_288 : memref<1x16x512xf32, #tpu.memory_space<hbm>> -> memref<16x512xf32, #tpu.memory_space<hbm>>
      tpu.enqueue_dma source(%arg14 : memref<16x512xf32, #tpu.memory_space<vmem>>) target(%dma_start3A_289 : memref<16x512xf32, #tpu.memory_space<hbm>>) target_semaphore(%arg30 : memref<!tpu.dma_semaphore, #tpu.memory_space<semaphore_mem>>)
      %add3A_290 = arith.constant 7 : i32
      %add3A_291 = arith.addi %add3A_274, %add3A_290 : i32
      %lt3A_292 = arith.constant 128 : i32
      %lt3A_293 = arith.cmpi slt, %add3A_291, %lt3A_292 : i32
      %convert_element_type3A_294 = arith.extui %lt3A_293 : i1 to i32
      %cond3A_295 = arith.constant 0 : i32
      %cond3A_296 = arith.cmpi ne, %convert_element_type3A_294, %cond3A_295 : i32
      scf.if %cond3A_296 {
        %add3A_323 = arith.constant 7 : i32
        %add3A_324 = arith.addi %add3A_274, %add3A_323 : i32
        %ge3A = arith.constant 8 : i32
        %ge3A_325 = arith.cmpi sge, %add3A_324, %ge3A : i32
        %convert_element_type3A_326 = arith.extui %ge3A_325 : i1 to i32
        %cond3A_327 = arith.constant 0 : i32
        %cond3A_328 = arith.cmpi ne, %convert_element_type3A_326, %cond3A_327 : i32
        scf.if %cond3A_328 {
          %multiple_of3A_338 = arith.constant 0 : i32
          %multiple_of3A_339 = tpu.assume_multiple %multiple_of3A_338, 16 : i32
          %dma_wait3A_340 = arith.constant 0 : i32
          %dma_wait3A_341 = tpu.memref_slice %arg5[%add3A, %multiple_of3A_339, %dma_wait3A_340] : memref<32x2048x512xf32, #tpu.memory_space<hbm>> -> memref<1x16x512xf32, #tpu.memory_space<hbm>>
          %dma_wait3A_342 = tpu.memref_squeeze %dma_wait3A_341 : memref<1x16x512xf32, #tpu.memory_space<hbm>> -> memref<16x512xf32, #tpu.memory_space<hbm>>
          %dma_wait3A_343 = arith.constant 0 : i32
          %dma_wait3A_344 = tpu.memref_slice %arg5[%add3A, %multiple_of3A_339, %dma_wait3A_343] : memref<32x2048x512xf32, #tpu.memory_space<hbm>> -> memref<1x16x512xf32, #tpu.memory_space<hbm>>
          %dma_wait3A_345 = tpu.memref_squeeze %dma_wait3A_344 : memref<1x16x512xf32, #tpu.memory_space<hbm>> -> memref<16x512xf32, #tpu.memory_space<hbm>>
          tpu.wait_dma2 semaphore(%arg29 : memref<!tpu.dma_semaphore, #tpu.memory_space<semaphore_mem>>) src(%arg13 : memref<16x512xf32, #tpu.memory_space<vmem>>) dst(%dma_wait3A_345 : memref<16x512xf32, #tpu.memory_space<hbm>>)
        } else {
        }
        %add3A_329 = arith.constant 7 : i32
        %add3A_330 = arith.addi %add3A_274, %add3A_329 : i32
        %mul3A_331 = arith.constant 16 : i32
        %mul3A_332 = arith.muli %add3A_330, %mul3A_331 : i32
        %multiple_of3A_333 = tpu.assume_multiple %mul3A_332, 16 : i32
        %dma_start3A_334 = tpu.memref_slice %arg6[%multiple_of3A_333] : memref<2048xi32, #tpu.memory_space<vmem>> -> memref<16xi32, #tpu.memory_space<vmem>>
        %dma_start3A_335 = arith.constant 0 : i32
        %dma_start3A_336 = arith.constant 0 : i32
        %dma_start3A_337 = tpu.memref_slice %arg4[%dma_start3A_335, %dma_start3A_336] : memref<1001x512xf32, #tpu.memory_space<hbm>> -> memref<1001x512xf32, #tpu.memory_space<hbm>>
        tpu.enqueue_indirect_dma source(%dma_start3A_337 : memref<1001x512xf32, #tpu.memory_space<hbm>>) target(%arg13 : memref<16x512xf32, #tpu.memory_space<vmem>>) offsets(%dma_start3A_334 : memref<16xi32, #tpu.memory_space<vmem>>) semaphore(%arg21 : memref<!tpu.dma_semaphore, #tpu.memory_space<semaphore_mem>>)
      } else {
      }
      %mul3A_297 = arith.constant 8 : i32
      %mul3A_298 = arith.muli %scan3A_117, %mul3A_297 : i32
      %add3A_299 = arith.constant 7 : i32
      %add3A_300 = arith.addi %mul3A_298, %add3A_299 : i32
      %multiple_of3A_301 = arith.constant 0 : i32
      %multiple_of3A_302 = tpu.assume_multiple %multiple_of3A_301, 16 : i32
      %dma_wait3A_303 = tpu.memref_slice %arg6[%multiple_of3A_302] : memref<2048xi32, #tpu.memory_space<vmem>> -> memref<16xi32, #tpu.memory_space<vmem>>
      %dma_wait3A_304 = arith.constant 0 : i32
      %dma_wait3A_305 = arith.constant 0 : i32
      %dma_wait3A_306 = tpu.memref_slice %arg4[%dma_wait3A_304, %dma_wait3A_305] : memref<1001x512xf32, #tpu.memory_space<hbm>> -> memref<1001x512xf32, #tpu.memory_space<hbm>>
      tpu.wait_indirect_dma semaphore(%arg23 : memref<!tpu.dma_semaphore, #tpu.memory_space<semaphore_mem>>) src(%dma_wait3A_306 : memref<1001x512xf32, #tpu.memory_space<hbm>>) dst(%arg15 : memref<16x512xf32, #tpu.memory_space<vmem>>)
      %mul3A_307 = arith.constant 16 : i32
      %mul3A_308 = arith.muli %add3A_300, %mul3A_307 : i32
      %multiple_of3A_309 = tpu.assume_multiple %mul3A_308, 16 : i32
      %dma_start3A_310 = arith.constant 0 : i32
      %dma_start3A_311 = tpu.memref_slice %arg5[%add3A, %multiple_of3A_309, %dma_start3A_310] : memref<32x2048x512xf32, #tpu.memory_space<hbm>> -> memref<1x16x512xf32, #tpu.memory_space<hbm>>
      %dma_start3A_312 = tpu.memref_squeeze %dma_start3A_311 : memref<1x16x512xf32, #tpu.memory_space<hbm>> -> memref<16x512xf32, #tpu.memory_space<hbm>>
      %dma_start3A_313 = arith.constant 0 : i32
      %dma_start3A_314 = tpu.memref_slice %arg5[%add3A, %multiple_of3A_309, %dma_start3A_313] : memref<32x2048x512xf32, #tpu.memory_space<hbm>> -> memref<1x16x512xf32, #tpu.memory_space<hbm>>
      %dma_start3A_315 = tpu.memref_squeeze %dma_start3A_314 : memref<1x16x512xf32, #tpu.memory_space<hbm>> -> memref<16x512xf32, #tpu.memory_space<hbm>>
      tpu.enqueue_dma source(%arg15 : memref<16x512xf32, #tpu.memory_space<vmem>>) target(%dma_start3A_315 : memref<16x512xf32, #tpu.memory_space<hbm>>) target_semaphore(%arg31 : memref<!tpu.dma_semaphore, #tpu.memory_space<semaphore_mem>>)
      %add3A_316 = arith.constant 7 : i32
      %add3A_317 = arith.addi %add3A_300, %add3A_316 : i32
      %lt3A_318 = arith.constant 128 : i32
      %lt3A_319 = arith.cmpi slt, %add3A_317, %lt3A_318 : i32
      %convert_element_type3A_320 = arith.extui %lt3A_319 : i1 to i32
      %cond3A_321 = arith.constant 0 : i32
      %cond3A_322 = arith.cmpi ne, %convert_element_type3A_320, %cond3A_321 : i32
      scf.if %cond3A_322 {
        %add3A_323 = arith.constant 7 : i32
        %add3A_324 = arith.addi %add3A_300, %add3A_323 : i32
        %ge3A = arith.constant 8 : i32
        %ge3A_325 = arith.cmpi sge, %add3A_324, %ge3A : i32
        %convert_element_type3A_326 = arith.extui %ge3A_325 : i1 to i32
        %cond3A_327 = arith.constant 0 : i32
        %cond3A_328 = arith.cmpi ne, %convert_element_type3A_326, %cond3A_327 : i32
        scf.if %cond3A_328 {
          %multiple_of3A_338 = arith.constant 0 : i32
          %multiple_of3A_339 = tpu.assume_multiple %multiple_of3A_338, 16 : i32
          %dma_wait3A_340 = arith.constant 0 : i32
          %dma_wait3A_341 = tpu.memref_slice %arg5[%add3A, %multiple_of3A_339, %dma_wait3A_340] : memref<32x2048x512xf32, #tpu.memory_space<hbm>> -> memref<1x16x512xf32, #tpu.memory_space<hbm>>
          %dma_wait3A_342 = tpu.memref_squeeze %dma_wait3A_341 : memref<1x16x512xf32, #tpu.memory_space<hbm>> -> memref<16x512xf32, #tpu.memory_space<hbm>>
          %dma_wait3A_343 = arith.constant 0 : i32
          %dma_wait3A_344 = tpu.memref_slice %arg5[%add3A, %multiple_of3A_339, %dma_wait3A_343] : memref<32x2048x512xf32, #tpu.memory_space<hbm>> -> memref<1x16x512xf32, #tpu.memory_space<hbm>>
          %dma_wait3A_345 = tpu.memref_squeeze %dma_wait3A_344 : memref<1x16x512xf32, #tpu.memory_space<hbm>> -> memref<16x512xf32, #tpu.memory_space<hbm>>
          tpu.wait_dma2 semaphore(%arg30 : memref<!tpu.dma_semaphore, #tpu.memory_space<semaphore_mem>>) src(%arg14 : memref<16x512xf32, #tpu.memory_space<vmem>>) dst(%dma_wait3A_345 : memref<16x512xf32, #tpu.memory_space<hbm>>)
        } else {
        }
        %add3A_329 = arith.constant 7 : i32
        %add3A_330 = arith.addi %add3A_300, %add3A_329 : i32
        %mul3A_331 = arith.constant 16 : i32
        %mul3A_332 = arith.muli %add3A_330, %mul3A_331 : i32
        %multiple_of3A_333 = tpu.assume_multiple %mul3A_332, 16 : i32
        %dma_start3A_334 = tpu.memref_slice %arg6[%multiple_of3A_333] : memref<2048xi32, #tpu.memory_space<vmem>> -> memref<16xi32, #tpu.memory_space<vmem>>
        %dma_start3A_335 = arith.constant 0 : i32
        %dma_start3A_336 = arith.constant 0 : i32
        %dma_start3A_337 = tpu.memref_slice %arg4[%dma_start3A_335, %dma_start3A_336] : memref<1001x512xf32, #tpu.memory_space<hbm>> -> memref<1001x512xf32, #tpu.memory_space<hbm>>
        tpu.enqueue_indirect_dma source(%dma_start3A_337 : memref<1001x512xf32, #tpu.memory_space<hbm>>) target(%arg14 : memref<16x512xf32, #tpu.memory_space<vmem>>) offsets(%dma_start3A_334 : memref<16xi32, #tpu.memory_space<vmem>>) semaphore(%arg22 : memref<!tpu.dma_semaphore, #tpu.memory_space<semaphore_mem>>)
      } else {
      }
    }
    %scan3A_53 = arith.constant 16 : i32
    %multiple_of3A_54 = arith.constant 0 : i32
    %multiple_of3A_55 = tpu.assume_multiple %multiple_of3A_54, 16 : i32
    %dma_wait3A = arith.constant 0 : i32
    %dma_wait3A_56 = tpu.memref_slice %arg5[%add3A, %multiple_of3A_55, %dma_wait3A] : memref<32x2048x512xf32, #tpu.memory_space<hbm>> -> memref<1x16x512xf32, #tpu.memory_space<hbm>>
    %dma_wait3A_57 = tpu.memref_squeeze %dma_wait3A_56 : memref<1x16x512xf32, #tpu.memory_space<hbm>> -> memref<16x512xf32, #tpu.memory_space<hbm>>
    %dma_wait3A_58 = arith.constant 0 : i32
    %dma_wait3A_59 = tpu.memref_slice %arg5[%add3A, %multiple_of3A_55, %dma_wait3A_58] : memref<32x2048x512xf32, #tpu.memory_space<hbm>> -> memref<1x16x512xf32, #tpu.memory_space<hbm>>
    %dma_wait3A_60 = tpu.memref_squeeze %dma_wait3A_59 : memref<1x16x512xf32, #tpu.memory_space<hbm>> -> memref<16x512xf32, #tpu.memory_space<hbm>>
    tpu.wait_dma2 semaphore(%arg24 : memref<!tpu.dma_semaphore, #tpu.memory_space<semaphore_mem>>) src(%arg8 : memref<16x512xf32, #tpu.memory_space<vmem>>) dst(%dma_wait3A_60 : memref<16x512xf32, #tpu.memory_space<hbm>>)
    %multiple_of3A_61 = arith.constant 0 : i32
    %multiple_of3A_62 = tpu.assume_multiple %multiple_of3A_61, 16 : i32
    %dma_wait3A_63 = arith.constant 0 : i32
    %dma_wait3A_64 = tpu.memref_slice %arg5[%add3A, %multiple_of3A_62, %dma_wait3A_63] : memref<32x2048x512xf32, #tpu.memory_space<hbm>> -> memref<1x16x512xf32, #tpu.memory_space<hbm>>
    %dma_wait3A_65 = tpu.memref_squeeze %dma_wait3A_64 : memref<1x16x512xf32, #tpu.memory_space<hbm>> -> memref<16x512xf32, #tpu.memory_space<hbm>>
    %dma_wait3A_66 = arith.constant 0 : i32
    %dma_wait3A_67 = tpu.memref_slice %arg5[%add3A, %multiple_of3A_62, %dma_wait3A_66] : memref<32x2048x512xf32, #tpu.memory_space<hbm>> -> memref<1x16x512xf32, #tpu.memory_space<hbm>>
    %dma_wait3A_68 = tpu.memref_squeeze %dma_wait3A_67 : memref<1x16x512xf32, #tpu.memory_space<hbm>> -> memref<16x512xf32, #tpu.memory_space<hbm>>
    tpu.wait_dma2 semaphore(%arg25 : memref<!tpu.dma_semaphore, #tpu.memory_space<semaphore_mem>>) src(%arg9 : memref<16x512xf32, #tpu.memory_space<vmem>>) dst(%dma_wait3A_68 : memref<16x512xf32, #tpu.memory_space<hbm>>)
    %multiple_of3A_69 = arith.constant 0 : i32
    %multiple_of3A_70 = tpu.assume_multiple %multiple_of3A_69, 16 : i32
    %dma_wait3A_71 = arith.constant 0 : i32
    %dma_wait3A_72 = tpu.memref_slice %arg5[%add3A, %multiple_of3A_70, %dma_wait3A_71] : memref<32x2048x512xf32, #tpu.memory_space<hbm>> -> memref<1x16x512xf32, #tpu.memory_space<hbm>>
    %dma_wait3A_73 = tpu.memref_squeeze %dma_wait3A_72 : memref<1x16x512xf32, #tpu.memory_space<hbm>> -> memref<16x512xf32, #tpu.memory_space<hbm>>
    %dma_wait3A_74 = arith.constant 0 : i32
    %dma_wait3A_75 = tpu.memref_slice %arg5[%add3A, %multiple_of3A_70, %dma_wait3A_74] : memref<32x2048x512xf32, #tpu.memory_space<hbm>> -> memref<1x16x512xf32, #tpu.memory_space<hbm>>
    %dma_wait3A_76 = tpu.memref_squeeze %dma_wait3A_75 : memref<1x16x512xf32, #tpu.memory_space<hbm>> -> memref<16x512xf32, #tpu.memory_space<hbm>>
    tpu.wait_dma2 semaphore(%arg26 : memref<!tpu.dma_semaphore, #tpu.memory_space<semaphore_mem>>) src(%arg10 : memref<16x512xf32, #tpu.memory_space<vmem>>) dst(%dma_wait3A_76 : memref<16x512xf32, #tpu.memory_space<hbm>>)
    %multiple_of3A_77 = arith.constant 0 : i32
    %multiple_of3A_78 = tpu.assume_multiple %multiple_of3A_77, 16 : i32
    %dma_wait3A_79 = arith.constant 0 : i32
    %dma_wait3A_80 = tpu.memref_slice %arg5[%add3A, %multiple_of3A_78, %dma_wait3A_79] : memref<32x2048x512xf32, #tpu.memory_space<hbm>> -> memref<1x16x512xf32, #tpu.memory_space<hbm>>
    %dma_wait3A_81 = tpu.memref_squeeze %dma_wait3A_80 : memref<1x16x512xf32, #tpu.memory_space<hbm>> -> memref<16x512xf32, #tpu.memory_space<hbm>>
    %dma_wait3A_82 = arith.constant 0 : i32
    %dma_wait3A_83 = tpu.memref_slice %arg5[%add3A, %multiple_of3A_78, %dma_wait3A_82] : memref<32x2048x512xf32, #tpu.memory_space<hbm>> -> memref<1x16x512xf32, #tpu.memory_space<hbm>>
    %dma_wait3A_84 = tpu.memref_squeeze %dma_wait3A_83 : memref<1x16x512xf32, #tpu.memory_space<hbm>> -> memref<16x512xf32, #tpu.memory_space<hbm>>
    tpu.wait_dma2 semaphore(%arg27 : memref<!tpu.dma_semaphore, #tpu.memory_space<semaphore_mem>>) src(%arg11 : memref<16x512xf32, #tpu.memory_space<vmem>>) dst(%dma_wait3A_84 : memref<16x512xf32, #tpu.memory_space<hbm>>)
    %multiple_of3A_85 = arith.constant 0 : i32
    %multiple_of3A_86 = tpu.assume_multiple %multiple_of3A_85, 16 : i32
    %dma_wait3A_87 = arith.constant 0 : i32
    %dma_wait3A_88 = tpu.memref_slice %arg5[%add3A, %multiple_of3A_86, %dma_wait3A_87] : memref<32x2048x512xf32, #tpu.memory_space<hbm>> -> memref<1x16x512xf32, #tpu.memory_space<hbm>>
    %dma_wait3A_89 = tpu.memref_squeeze %dma_wait3A_88 : memref<1x16x512xf32, #tpu.memory_space<hbm>> -> memref<16x512xf32, #tpu.memory_space<hbm>>
    %dma_wait3A_90 = arith.constant 0 : i32
    %dma_wait3A_91 = tpu.memref_slice %arg5[%add3A, %multiple_of3A_86, %dma_wait3A_90] : memref<32x2048x512xf32, #tpu.memory_space<hbm>> -> memref<1x16x512xf32, #tpu.memory_space<hbm>>
    %dma_wait3A_92 = tpu.memref_squeeze %dma_wait3A_91 : memref<1x16x512xf32, #tpu.memory_space<hbm>> -> memref<16x512xf32, #tpu.memory_space<hbm>>
    tpu.wait_dma2 semaphore(%arg28 : memref<!tpu.dma_semaphore, #tpu.memory_space<semaphore_mem>>) src(%arg12 : memref<16x512xf32, #tpu.memory_space<vmem>>) dst(%dma_wait3A_92 : memref<16x512xf32, #tpu.memory_space<hbm>>)
    %multiple_of3A_93 = arith.constant 0 : i32
    %multiple_of3A_94 = tpu.assume_multiple %multiple_of3A_93, 16 : i32
    %dma_wait3A_95 = arith.constant 0 : i32
    %dma_wait3A_96 = tpu.memref_slice %arg5[%add3A, %multiple_of3A_94, %dma_wait3A_95] : memref<32x2048x512xf32, #tpu.memory_space<hbm>> -> memref<1x16x512xf32, #tpu.memory_space<hbm>>
    %dma_wait3A_97 = tpu.memref_squeeze %dma_wait3A_96 : memref<1x16x512xf32, #tpu.memory_space<hbm>> -> memref<16x512xf32, #tpu.memory_space<hbm>>
    %dma_wait3A_98 = arith.constant 0 : i32
    %dma_wait3A_99 = tpu.memref_slice %arg5[%add3A, %multiple_of3A_94, %dma_wait3A_98] : memref<32x2048x512xf32, #tpu.memory_space<hbm>> -> memref<1x16x512xf32, #tpu.memory_space<hbm>>
    %dma_wait3A_100 = tpu.memref_squeeze %dma_wait3A_99 : memref<1x16x512xf32, #tpu.memory_space<hbm>> -> memref<16x512xf32, #tpu.memory_space<hbm>>
    tpu.wait_dma2 semaphore(%arg29 : memref<!tpu.dma_semaphore, #tpu.memory_space<semaphore_mem>>) src(%arg13 : memref<16x512xf32, #tpu.memory_space<vmem>>) dst(%dma_wait3A_100 : memref<16x512xf32, #tpu.memory_space<hbm>>)
    %multiple_of3A_101 = arith.constant 0 : i32
    %multiple_of3A_102 = tpu.assume_multiple %multiple_of3A_101, 16 : i32
    %dma_wait3A_103 = arith.constant 0 : i32
    %dma_wait3A_104 = tpu.memref_slice %arg5[%add3A, %multiple_of3A_102, %dma_wait3A_103] : memref<32x2048x512xf32, #tpu.memory_space<hbm>> -> memref<1x16x512xf32, #tpu.memory_space<hbm>>
    %dma_wait3A_105 = tpu.memref_squeeze %dma_wait3A_104 : memref<1x16x512xf32, #tpu.memory_space<hbm>> -> memref<16x512xf32, #tpu.memory_space<hbm>>
    %dma_wait3A_106 = arith.constant 0 : i32
    %dma_wait3A_107 = tpu.memref_slice %arg5[%add3A, %multiple_of3A_102, %dma_wait3A_106] : memref<32x2048x512xf32, #tpu.memory_space<hbm>> -> memref<1x16x512xf32, #tpu.memory_space<hbm>>
    %dma_wait3A_108 = tpu.memref_squeeze %dma_wait3A_107 : memref<1x16x512xf32, #tpu.memory_space<hbm>> -> memref<16x512xf32, #tpu.memory_space<hbm>>
    tpu.wait_dma2 semaphore(%arg30 : memref<!tpu.dma_semaphore, #tpu.memory_space<semaphore_mem>>) src(%arg14 : memref<16x512xf32, #tpu.memory_space<vmem>>) dst(%dma_wait3A_108 : memref<16x512xf32, #tpu.memory_space<hbm>>)
    %multiple_of3A_109 = arith.constant 0 : i32
    %multiple_of3A_110 = tpu.assume_multiple %multiple_of3A_109, 16 : i32
    %dma_wait3A_111 = arith.constant 0 : i32
    %dma_wait3A_112 = tpu.memref_slice %arg5[%add3A, %multiple_of3A_110, %dma_wait3A_111] : memref<32x2048x512xf32, #tpu.memory_space<hbm>> -> memref<1x16x512xf32, #tpu.memory_space<hbm>>
    %dma_wait3A_113 = tpu.memref_squeeze %dma_wait3A_112 : memref<1x16x512xf32, #tpu.memory_space<hbm>> -> memref<16x512xf32, #tpu.memory_space<hbm>>
    %dma_wait3A_114 = arith.constant 0 : i32
    %dma_wait3A_115 = tpu.memref_slice %arg5[%add3A, %multiple_of3A_110, %dma_wait3A_114] : memref<32x2048x512xf32, #tpu.memory_space<hbm>> -> memref<1x16x512xf32, #tpu.memory_space<hbm>>
    %dma_wait3A_116 = tpu.memref_squeeze %dma_wait3A_115 : memref<1x16x512xf32, #tpu.memory_space<hbm>> -> memref<16x512xf32, #tpu.memory_space<hbm>>
    tpu.wait_dma2 semaphore(%arg31 : memref<!tpu.dma_semaphore, #tpu.memory_space<semaphore_mem>>) src(%arg15 : memref<16x512xf32, #tpu.memory_space<vmem>>) dst(%dma_wait3A_116 : memref<16x512xf32, #tpu.memory_space<hbm>>)
    return
  }
}

</mosaic_0001>

<sc_bundles>
// kernel: kernel.3.cloned.1.call-start
scs
__scs_entry_jumppad:
0x0: {  	(pc) =	sbr.rel $0x88, $3  }
0x1: {  	(tag) =	ssettag $0x0;
	lr =	simm.s32 $0x1  }
0x2: {  	[smem:$0x3F9E] =	sst lr;
	_ =	strace $0xD0000000  }
0x3: {  	_ = 	snop  }
0x4: {  	_ = 	snop  }
0x5: {  	_ = 	snop  }
0x6: {  	_ = 	snop  }
0x7: {  	_ = 	snop  }
__scs_overlays_trampoline_lowered:
0x8: {  	[smem:$0x3FAD] =	sst s0  }
0x9: {  	[smem:$0x3FAE] =	sst s1  }
0xa: {  	[smem:$0x3FAF] =	sst s2  }
0xb: {  	[smem:$0x3FB0] =	sst s3  }
0xc: {  	[smem:$0x3FB1] =	sst s4  }
0xd: {  	[smem:$0x3FB2] =	sst s5  }
0xe: {  	[smem:$0x3FB3] =	sst s6  }
0xf: {  	[smem:$0x3FB4] =	sst s7  }
0x10: {  	[smem:$0x3FB5] =	sst s8  }
0x11: {  	[smem:$0x3FB6] =	sst s9;
	s0 =	simm.s32 @!p0 $0x0  }
0x12: {  	s1 =	sld [smem:$0x3F9C];
	s0 =	simm.s32 @p0 $0x1  }
0x13: {  	[smem:$0x3FB7] =	sst s0;
	s0 =	simm.s32 @!p1 $0x0  }
0x14: {  	s2 =	sld [smem:$0x3F9B];
	s0 =	simm.s32 @p1 $0x1  }
0x15: {  	[smem:$0x3FB8] =	sst s0;
	s0 =	simm.s32 @!p2 $0x0  }
0x16: {  	s3 =	sld [smem:$0x3FDB];
	s0 =	simm.s32 @p2 $0x1  }
0x17: {  	s4 =	simm.s32 $0x1BF5;
	[smem:$0x3FBA] =	sst s0  }
0x18: {  	s0 =	sld [smem:$0x3F9D];
	_ =	swait.ge [sflag:s4], $0x0  }
0x19: {  	s7 =	sld [smem:$0x3F9E]  }
0x1a: {  	s8 =	sadd.s32 $0xFFFFE003, lr  }
0x1b: {  	s9 =	sadd.s32 $0xFFFFFEF7, lr;
	s5 =	simm.s32 $0xFFFFFFFF;
	p2 =	slt.u32 s8, $0xFFFFF086  }
0x1c: {  	p1 =	slt.u32 s9, $0xF7A;
	s5 =	simm.s32 @!p2 $0x0  }
0x1d: {  	s5 =	simm.s32 @p1 $0x1;
	p0 =	seq.s32 s7, s2  }
0x1e: {  	s7 =	smul.u32 @!p0 $0xF7A, s2;
	p2 =	seq.s32 @!p0 s5, $0x0  }
0x1f: {  	s9 =	smul.u32 $0xF7A, s1;
	s8 =	simm.s32 @!p0 $0x1BF5;
	p2 =	por !p2, p0  }
0x20: {  	[sflag:s8] =	ssyncset.s32 @!p0 $0xFFFFF086;
	s6 =	sadd.s32 @!p0 s3, s7;
	s7 =	simm.s32 @!p0 $0x108  }
0x21: {  	s3 =	sadd.s32 s3, s9;
	s6 =	sadd.s32 @!p0 $0x88, s6;
	s7 =	simm.s32 @p2 $0x1082  }
0x22: {  	[simem:s7], [sflag:s8] =	dma.local @!p0 [hbm:s6], $0xF7A  }
0x23: {  	s9 =	sor.u32 $0xD0000000, s2;
	s6 =	simm.s32 $0x108;
	_ =	swait.ge @!p0 [sflag:s8], $0x0  }
0x24: {  	s3 =	sadd.s32 $0x88, s3;
	s6 =	simm.s32 @!p1 $0x1082;
	[sflag:s4] =	ssyncset.s32 $0xFFFFF086  }
0x25: {  	[simem:s6], [sflag:s4] =	dma.local [hbm:s3], $0xF7A  }
0x26: {  	[smem:$0x3F9E] =	sst s1;
	(tag) =	ssettag s2;
	_ =	strace s9  }
0x27: {  	s1 =	sld [smem:$0x3FAE]  }
0x28: {  	s2 =	sld [smem:$0x3FAF]  }
0x29: {  	s4 =	sld [smem:$0x3FB1]  }
0x2a: {  	p0 =	seq.s32 s5, $0x0;
	s5 =	sld [smem:$0x3FB2]  }
0x2b: {  	s6 =	sld [smem:$0x3FB3]  }
0x2c: {  	s7 =	sld [smem:$0x3FB4]  }
0x2d: {  	s3 =	simm.s32 $0x108;
	s8 =	sld [smem:$0x3FB5]  }
0x2e: {  	s3 =	simm.s32 @!p0 $0x1082;
	s9 =	sld [smem:$0x3FB6]  }
0x2f: {  	lr =	sadd.s32 s0, s3;
	s0 =	sld [smem:$0x3FAD]  }
0x30: {  	s3 =	sld [smem:$0x3FB0]  }
0x31: {  	[smem:$0x3FB9] =	sst s10  }
0x32: {  	s10 =	sld [smem:$0x3FB7];
	_ =	sdelay $0x3  }
0x33: {  	p0 =	seq.s32 s10, $0x1;
	s10 =	sld [smem:$0x3FB9];
	_ =	sdelay $0x3  }
0x34: {  	[smem:$0x3FB9] =	sst s10  }
0x35: {  	s10 =	sld [smem:$0x3FB8];
	_ =	sdelay $0x3  }
0x36: {  	p1 =	seq.s32 s10, $0x1;
	s10 =	sld [smem:$0x3FB9];
	_ =	sdelay $0x3  }
0x37: {  	[smem:$0x3FB9] =	sst s10  }
0x38: {  	s10 =	sld [smem:$0x3FBA]  }
0x39: {  	_ = 	snop;
	(pc) =	sbr.ind lr, $3  }
0x3a: {  	_ = 	snop  }
0x3b: {  	_ = 	snop  }
0x3c: {  	p2 =	seq.s32 s10, $0x1;
	s10 =	sld [smem:$0x3FB9]  }
0x3d: {  	_ =	shalt  }
0x3e: {  	_ =	shalt  }
0x3f: {  	_ =	shalt  }
0x40: {  	_ =	shalt  }
0x41: {  	_ =	shalt  }
0x42: {  	_ =	shalt  }
0x43: {  	_ =	shalt  }
0x44: {  	_ =	shalt  }
0x45: {  	_ =	shalt  }
0x46: {  	_ =	shalt  }
0x47: {  	_ =	shalt  }
0x48: {  	_ =	shalt  }
0x49: {  	_ =	shalt  }
0x4a: {  	_ =	shalt  }
0x4b: {  	_ =	shalt  }
0x4c: {  	_ =	shalt  }
0x4d: {  	_ =	shalt  }
0x4e: {  	_ =	shalt  }
0x4f: {  	_ =	shalt  }
0x50: {  	_ =	shalt  }
0x51: {  	_ =	shalt  }
0x52: {  	_ =	shalt  }
0x53: {  	_ =	shalt  }
0x54: {  	_ =	shalt  }
0x55: {  	_ =	shalt  }
0x56: {  	_ =	shalt  }
0x57: {  	_ =	shalt  }
0x58: {  	_ =	shalt  }
0x59: {  	_ =	shalt  }
0x5a: {  	_ =	shalt  }
0x5b: {  	_ =	shalt  }
0x5c: {  	_ =	shalt  }
0x5d: {  	_ =	shalt  }
0x5e: {  	_ =	shalt  }
0x5f: {  	_ =	shalt  }
0x60: {  	_ =	shalt  }
0x61: {  	_ =	shalt  }
0x62: {  	_ =	shalt  }
0x63: {  	_ =	shalt  }
0x64: {  	_ =	shalt  }
0x65: {  	_ =	shalt  }
0x66: {  	_ =	shalt  }
0x67: {  	_ =	shalt  }
0x68: {  	_ =	shalt  }
0x69: {  	_ =	shalt  }
0x6a: {  	_ =	shalt  }
0x6b: {  	_ =	shalt  }
0x6c: {  	_ =	shalt  }
0x6d: {  	_ =	shalt  }
0x6e: {  	_ =	shalt  }
0x6f: {  	_ =	shalt  }
0x70: {  	_ =	shalt  }
0x71: {  	_ =	shalt  }
0x72: {  	_ =	shalt  }
0x73: {  	_ =	shalt  }
0x74: {  	_ =	shalt  }
0x75: {  	_ =	shalt  }
0x76: {  	_ =	shalt  }
0x77: {  	_ =	shalt  }
0x78: {  	_ =	shalt  }
0x79: {  	_ =	shalt  }
0x7a: {  	_ =	shalt  }
0x7b: {  	_ =	shalt  }
0x7c: {  	_ =	shalt  }
0x7d: {  	_ =	shalt  }
0x7e: {  	_ =	shalt  }
0x7f: {  	_ =	shalt  }
0x80: {  	_ =	shalt  }
0x81: {  	_ =	shalt  }
0x82: {  	_ =	shalt  }
0x83: {  	_ =	shalt  }
0x84: {  	_ =	shalt  }
0x85: {  	_ =	shalt  }
0x86: {  	_ =	shalt  }
0x87: {  	_ =	shalt  }
.Lfunc_end0:
.L_simem_size_0:
called_computation_lowered:
.L_overlay_start_0:
0x88: {  	s2 =	sld [smem:$0x3FD9]  }
0x89: {  	s3 =	sld [smem:$0x3FFE];
	_ =	sdelay $0x1  }
0x8a: {  	s1 =	srdreg.scid  }
0x8b: {  	s0 =	sand.u32 $0x1, s1  }
0x8c: {  	s17 =	sshll.u32 s0, $0xA;
	s2 =	sadd.s32 s3, s2  }
0x8d: {  	s2 =	sadd.s32 s2, s17  }
0x8e: {  	[smem:$0x3FC5] =	sst s2  }
0x8f: {  	_ = 	snop  }
0x90: {  	s2 =	sld [smem:$0x3FC9]  }
0x91: {  	s18 =	sld [smem:$0x3FC7]  }
0x92: {  	s4 =	sld [smem:$0x3FD0];
	(tm) =	ssettm $0x1  }
0x93: {  	s5 =	sld [smem:$0x3FFB];
	_ =	sdelay $0x3  }
0x94: {  	_ =	strace s5  }
0x95: {  	s5 =	sld [smem:$0x3FFC];
	_ =	sdelay $0x3  }
0x96: {  	_ =	strace s5  }
0x97: {  	s5 =	sld [smem:$0x3FFD];
	_ =	sdelay $0x3  }
0x98: {  	_ =	strace s5  }
0x99: {  	_ =	strace $0x8FFFFFFF  }
0x9a: {  	s19 =	sld [smem:$0x3FDB];
	_ =	sdelay $0x1  }
0x9b: {  	s6 =	simm.s32 $_scs_section_size  }
0x9c: {  	s7 =	simm.s32 $_size__tile_overlayer_lowered;
	s8 =	simm.s32 $_tile_overlayer_lowered  }
0x9d: {  	s22 =	simm.s32 $0x1BFF;
	s21 =	sshll.u32 s8, $0x1;
	s5 =	sadd.s32 s6, s19  }
0x9e: {  	s9 =	simm.s32 $0x0;
	s20 =	sshll.u32 s7, $0x1;
	s7 =	sadd.s32 s21, s5  }
0x9f: {  	[timem:s9], [sflag:s22] =	dma.local [hbm:s7], s20  }
0xa0: {  	_ =	swait.ge [sflag:s22], s20  }
0xa1: {  	s6 =	ssub.s32 $0x0, s20;
	[sflag:s22] =	ssyncset.done $0x0  }
0xa2: {  	[sflag:s22] =	ssyncadd.s32 s6;
	_ =	sdelay $0x1  }
0xa3: {  	s23 =	simm.s32 $0x1B8B  }
0xa4: {  	_ =	swait.ge [sflag:s23], $0x1  }
0xa5: {  	[sflag:s23] =	ssyncset.done $0x0  }
0xa6: {  	s25 =	simm.s32 $0x1B8E;
	s24 =	sld [smem:$0x3FFE];
	[sflag:s23] =	ssyncadd.s32 $0xFFFFFFFF  }
0xa7: {  	s26 =	simm.s32 $execute0_lowered;
	[smem:$0x3FD2] =	sst s25  }
0xa8: {  	s7 =	sshll.u32 s26, $0x1;
	_ =	strace $0x80000046;
	[dreg:$0x1] =	wrdreg $0xFFFFFFFF  }
0xa9: {  	s28 =	simm.s32 $_size_execute0_lowered;
	s5 =	sadd.s32 s5, s7;
	[dreg:$0x0] =	wrdreg $0x0  }
0xaa: {  	s7 =	sshll.u32 s28, $0x1;
	[dreg:$0x2] =	wrdreg s5  }
0xab: {  	[dreg:$0x3] =	wrdreg s7  }
0xac: {  	[dreg:$0x4] =	wrdreg $0xC0  }
0xad: {  	_ =	task [dreg:s9], $0x5FFFF  }
0xae: {  	[dreg:$0x1] =	wrdreg $0xFFFFFFFF  }
0xaf: {  	[dreg:$0x0] =	wrdreg $0x60  }
0xb0: {  	[dreg:$0x2] =	wrdreg s2  }
0xb1: {  	[dreg:$0x3] =	wrdreg s24  }
0xb2: {  	[dreg:$0x4] =	wrdreg s18  }
0xb3: {  	[dreg:$0x5] =	wrdreg s4  }
0xb4: {  	[dreg:$0x6] =	wrdreg $0x9  }
0xb5: {  	_ =	task.clear_ibuf [dreg:s9], $0x7FFFF;
	_ =	strace $0x90000046  }
0xb6: {  	s29 =	simm.s32 $0x9;
	_ =	strace $0x80000048  }
0xb7: {  	_ =	swait.ge [sflag:s29], $0x1  }
0xb8: {  	[sflag:s29] =	ssyncadd.s32 $0xFFFFFFFF  }
0xb9: {  	_ =	strace $0x90000048  }
0xba: {  	_ =	sfence  }
0xbb: {  	s30 =	sld [smem:$0x0];
	_ =	sdelay $0x2  }
0xbc: {  	s31 =	sshll.u32 s1, $0xD;
	s1 =	sshrl.u32 s1, $0x2  }
0xbd: {  	s3 =	sand.u32 $0x4000, s31;
	s1 =	sadd.s32 s1, s30  }
0xbe: {  	s0 =	sor.u32 s3, s0;
	s1 =	sshll.u32 s1, $0x11  }
0xbf: {  	s0 =	sor.u32 s1, s0  }
0xc0: {  	s0 =	sadd.s32 $0x8F2B, s0  }
0xc1: {  	[sflag:s0] =	ssyncadd.remote.s32 $0x1  }
0xc2: {  	_ =	sfence.sel $0xFFFF  }
0xc3: {  	[dreg:$0x0] =	wrdreg $0xFFFFFFFF;
	(pc) =	sbr.abs _section_cstart, $3  }
0xc4: {  	[dreg:$0x1] =	wrdreg $0xFFFFFFFF  }
0xc5: {  	_ =	task.clear_ibuf [dreg:s9], $0x2FFFF;
	_ =	strace $0x9FFFFFFF  }
0xc6: {  	(tm) =	ssettm $0x7FFFFFFF  }
0xc7: {  	_ =	shalt  }
tec
execute0_lowered:
.L_overlay_start_1:
0x0: {  	(tag) =	ssettag $0x1  }
0x1: {  	s0 =	rddreg [dreg:$0x0]  }
0x2: {  	s2 =	rddreg [dreg:$0x1]  }
0x3: {  	s1 =	rddreg [dreg:$0x2]  }
0x4: {  	s4 =	rddreg [dreg:$0x3]  }
0x5: {  	s3 =	simm.s32 $0x0;
	s5 =	srdreg.scid;
	s10 =	stileid.u32  }
0x6: {  	s31 =	simm.s32 $0x1;
	[smem:$0x7FF] =	sst s3;
	s2 =	sadd.s32 $0x400, s2  }
0x7: {  	s16 =	sand.u32 $0x1, s5;
	s17 =	sshll.u32 s10, $0x1;
	s7 =	sshll.u32 s10, $0x9  }
0x8: {  	s19 =	sshll.u32 s10, $0x15;
	_ =	strace $0x80000047;
	[dreg:$0x5] =	wrdreg s2  }
0x9: {  	s6 =	ssub.s32 $0x2, s16;
	s5 =	sor.u32 s16, s17;
	s7 =	sand.u32 $0x1800, s7  }
0xa: {  	s2 =	sshll.u32 s16, $0x14;
	s8 =	sshrl.u32 s6, $0x1;
	s9 =	sshll.u32 s5, $0x4  }
0xb: {  	s0 =	sadd.s32 s0, s7;
	s5 =	sshll.u32 s5, $0x11;
	s7 =	simm.s32 $0x6  }
0xc: {  	s8 =	ssub.s32 s6, s8;
	s18 =	sand.u32 $0x70, s9;
	s6 =	sadd.s32 $0x100, s1  }
0xd: {  	s21 =	sadd.s32 s5, s4;
	s0 =	sadd.s32 s18, s0;
	s20 =	smax.u32 s8, $0x1  }
0xe: {  	s8 =	sadd.s32 $0x1E800, s21;
	s9 =	sadd.s32 $0x1F000, s21;
	s10 =	sadd.s32 $0x1F800, s21  }
0xf: {  	s21 =	simm.s32 $0x8;
	[dreg:$0x6] =	wrdreg s0;
	s0 =	sor.u32 s2, s19  }
0x10: {  	[dreg:$0x7] =	wrdreg s20;
	s20 =	simm.s32 $0xF880;
	s22 =	sor.u32 $0xE000, s0  }
0x11: {  	s23 =	sshrl.u32 s0, $0x3;
	s24 =	sor.u32 $0x2000, s0;
	s25 =	sor.u32 $0x4000, s0  }
0x12: {  	s26 =	sor.u32 $0xC000, s0;
	s29 =	sor.u32 $0xA000, s0;
	s30 =	sor.u32 $0x8000, s0  }
0x13: {  	s0 =	sor.u32 $0x6000, s0;
	s5 =	sshrl.u32 s22, $0x3;
	s12 =	sadd.s32 s23, s4  }
0x14: {  	s2 =	sshrl.u32 s24, $0x3;
	s28 =	sshrl.u32 s26, $0x3;
	s0 =	sshrl.u32 s0, $0x3  }
0x15: {  	s24 =	simm.s32 $0x10080;
	s23 =	simm.s32 $0xF;
	s11 =	sadd.s32 s5, s4  }
.Ltmp0:
0x16: {  	s5 =	sshrl.u32 s25, $0x3;
	s13 =	sadd.s32 s2, s4;
	(pc) =	sbr.rel .LBB2_1-.Ltmp0, $4  }
0x17: {  	s15 =	sadd.s32 s28, s4;
	s2 =	sshrl.u32 s29, $0x3;
	s18 =	sadd.s32 s0, s4  }
0x18: {  	v0 =	vlaneseq.u32;
	s0 =	simm.s32 $0xE880;
	s25 =	simm.s32 $0x0;
	s14 =	sadd.s32 s5, s4  }
0x19: {  	vm0 =	vmmov $0xffff;
	v2 =	vshrl.u32 v0, $0x3;
	s5 =	sshrl.u32 s30, $0x3;
	s16 =	sadd.s32 s2, s4;
	s2 =	simm.s32 $0xA880  }
0x1a: {  	v1 =	vand.u32 $0x7, v0;
	v3 =	vor.u32 $0x8, v0;
	v2 =	vmul.u32 $0x8, v2;
	s17 =	sadd.s32 s5, s4;
	s4 =	simm.s32 $0x2;
	s5 =	simm.s32 $0x4  }
.LBB2_6:
0x1b: {  	s19 =	simm.s32 $0x9  }
0x1c: {  	_ =	swait.ge [sflag:s19], $0x2000  }
0x1d: {  	[sflag:s19] =	ssyncset.done $0x0  }
0x1e: {  	s22 =	simm.s32 $0xA;
	[sflag:s19] =	ssyncadd.s32 $0xFFFFE000  }
0x1f: {  	_ =	swait.ge [sflag:s22], $0x2000  }
0x20: {  	[sflag:s22] =	ssyncset.done $0x0  }
0x21: {  	s25 =	simm.s32 $0xB;
	[sflag:s22] =	ssyncadd.s32 $0xFFFFE000  }
0x22: {  	_ =	swait.ge [sflag:s25], $0x2000  }
0x23: {  	[sflag:s25] =	ssyncset.done $0x0  }
0x24: {  	s26 =	simm.s32 $0xC;
	[sflag:s25] =	ssyncadd.s32 $0xFFFFE000  }
0x25: {  	_ =	swait.ge [sflag:s26], $0x2000  }
0x26: {  	[sflag:s26] =	ssyncset.done $0x0  }
0x27: {  	s28 =	simm.s32 $0xD;
	[sflag:s26] =	ssyncadd.s32 $0xFFFFE000  }
0x28: {  	_ =	swait.ge [sflag:s28], $0x2000  }
0x29: {  	[sflag:s28] =	ssyncset.done $0x0  }
0x2a: {  	s29 =	simm.s32 $0xE;
	[sflag:s28] =	ssyncadd.s32 $0xFFFFE000  }
0x2b: {  	_ =	swait.ge [sflag:s29], $0x2000  }
0x2c: {  	[sflag:s29] =	ssyncset.done $0x0  }
0x2d: {  	[sflag:s29] =	ssyncadd.s32 $0xFFFFE000  }
0x2e: {  	_ =	swait.ge [sflag:s23], $0x2000  }
0x2f: {  	[sflag:s23] =	ssyncset.done $0x0  }
0x30: {  	s30 =	simm.s32 $0x10;
	[sflag:s23] =	ssyncadd.s32 $0xFFFFE000  }
0x31: {  	_ =	swait.ge [sflag:s30], $0x2000  }
0x32: {  	s25 =	rddreg [dreg:$0x8]  }
0x33: {  	s22 =	rddreg [dreg:$0x7];
	s25 =	sadd.s32 $0x1, s25  }
0x34: {  	p0 =	sne.s32 s25, s22  }
.Ltmp1:
0x35: {  	_ = 	snop;
	(pc) =	sbr.rel @!p0 .LBB2_7-.Ltmp1, $3  }
0x36: {  	_ =	sdelay $0x1  }
0x37: {  	[sflag:s30] =	ssyncset.done $0x0  }
0x38: {  	[sflag:s30] =	ssyncadd.s32 $0xFFFFE000  }
.LBB2_1:
0x39: {  	[dreg:$0x8] =	wrdreg s25  }
0x3a: {  	s22 =	rddreg [dreg:$0x6]  }
0x3b: {  	s30 =	simm.s32 $0x80;
	s26 =	simm.s32 $0x400;
	s19 =	simm.s32 $0x11  }
0x3c: {  	[tilespmem:s3], [sflag:$0x11] =	stream.strided.gather [hbm4b:s22+s30], $0x800, s26, s30, $0x38;
	[tilespmem:$0x10880] =	vst v63  }
0x3d: {  	_ =	swait.ge [sflag:s19], $0x800  }
0x3e: {  	[sflag:s19] =	ssyncset.done $0x0  }
0x3f: {  	s30 =	simm.s32 $0x800;
	s29 =	rddreg [dreg:$0x5];
	[sflag:s19] =	ssyncadd.s32 $0xFFFFF800  }
0x40: {  	[tilespmem:s30], [sflag:$0x11] =	stream.linear.gather [hbm4b:s29+s3], $0x80, $0x38;
	[tilespmem:$0x10880] =	vst v63  }
0x41: {  	_ =	swait.ge [sflag:s19], $0x80  }
0x42: {  	[sflag:s19] =	ssyncset.done $0x0  }
0x43: {  	[sflag:s19] =	ssyncadd.s32 $0xFFFFFF80  }
0x44: {  	v4 =	vld [tilespmem:$0x800]  }
0x45: {  	s28 =	simm.s32 $0x0;
	s25 =	simm.s32 $0x0;
	s26 =	simm.s32 $0x10;
	v5 =	vld [tilespmem:s3+$0x0]  }
.LBB2_2:
0x46: {  	p0 =	sne.s32 s26, $0x7F0;
	_ =	sdelay $0x2  }
.Ltmp2:
0x47: {  	v6 =	vor.u32 s28, v0;
	s28 =	smov.u32 s26;
	(pc) =	sbr.rel @p0 .LBB2_2-.Ltmp2, $4  }
0x48: {  	vm1 =	vlt.s32 v6, v4;
	v5 =	vadd.s32 $0x1, v5  }
0x49: {  	v5 =	vnsel vm1, $0x0, v5  }
0x4a: {  	[tilespmem:s25+$0x0] =	vst v5;
	s25 =	sadd.s32 $0x10, s25  }
0x4b: {  	s26 =	sadd.s32 $0x10, s26;
	v5 =	vld [tilespmem:s25+$0x0]  }
0x4c: {  	_ =	sdelay $0x2  }
0x4d: {  	v6 =	vor.u32 s28, v0  }
0x4e: {  	vm1 =	vlt.s32 v6, v4;
	v4 =	vadd.s32 $0x1, v5  }
0x4f: {  	v4 =	vnsel vm1, $0x0, v4  }
0x50: {  	[tilespmem:s25+$0x0] =	vst v4  }
0x51: {  	v4 =	vld [tilespmem:$0x0];
	_ =	sdelay $0x4  }
0x52: {  	v5 =	vshll.u32 v4, $0x2  }
0x53: {  	v4 =	vand.u32 $0x7, v4;
	v5 =	vand.u32 $0xFFFFFFE0, v5  }
0x54: {  	v4 =	vor.u32 v4, v5  }
0x55: {  	v5 =	vperm.xlane v4, v1;
	_ =	sdelay $0x1  }
0x56: {  	v5 =	vadd.s32 v2, v5;
	_ =	sdelay $0x1  }
0x57: {  	v4 =	vperm.xlane v4, v3;
	_ =	sdelay $0x1  }
0x58: {  	s28 =	simm.s32 $0x0;
	s22 =	simm.s32 $0x880;
	v4 =	vadd.s32 v2, v4  }
0x59: {  	[tilespmem:s22], [sflag:$0x1] =	stream.indirect_vreg.gather [hbm4b:s1+s28], $0x80, v5, vm0, $0xb8;
	[tilespmem:$0x10880] =	vst v63  }
0x5a: {  	s19 =	simm.s32 $0x1080  }
0x5b: {  	[tilespmem:s19], [sflag:$0x1] =	stream.indirect_vreg.gather [hbm4b:s6+s28], $0x80, v5, vm0, $0xb8;
	[tilespmem:$0x10880] =	vst v63  }
0x5c: {  	s25 =	simm.s32 $0x1880  }
0x5d: {  	[tilespmem:s25], [sflag:$0x1] =	stream.indirect_vreg.gather [hbm4b:s1+s28], $0x80, v4, vm0, $0xb8;
	[tilespmem:$0x10880] =	vst v63  }
0x5e: {  	s26 =	simm.s32 $0x2080  }
0x5f: {  	[tilespmem:s26], [sflag:$0x1] =	stream.indirect_vreg.gather [hbm4b:s6+s28], $0x80, v4, vm0, $0xb8;
	[tilespmem:$0x10880] =	vst v63  }
0x60: {  	v4 =	vld [tilespmem:$0x10];
	_ =	sdelay $0x4  }
0x61: {  	v5 =	vshll.u32 v4, $0x2  }
0x62: {  	v4 =	vand.u32 $0x7, v4;
	v5 =	vand.u32 $0xFFFFFFE0, v5  }
0x63: {  	v4 =	vor.u32 v4, v5  }
0x64: {  	v5 =	vperm.xlane v4, v1;
	_ =	sdelay $0x1  }
0x65: {  	v5 =	vadd.s32 v2, v5;
	_ =	sdelay $0x1  }
0x66: {  	v4 =	vperm.xlane v4, v3;
	_ =	sdelay $0x1  }
0x67: {  	s29 =	simm.s32 $0x2880;
	v4 =	vadd.s32 v2, v4  }
0x68: {  	[tilespmem:s29], [sflag:$0x2] =	stream.indirect_vreg.gather [hbm4b:s1+s28], $0x80, v5, vm0, $0xb8;
	[tilespmem:$0x10880] =	vst v63  }
0x69: {  	s30 =	simm.s32 $0x3080  }
0x6a: {  	[tilespmem:s30], [sflag:$0x2] =	stream.indirect_vreg.gather [hbm4b:s6+s28], $0x80, v5, vm0, $0xb8;
	[tilespmem:$0x10880] =	vst v63  }
0x6b: {  	s19 =	simm.s32 $0x3880  }
0x6c: {  	[tilespmem:s19], [sflag:$0x2] =	stream.indirect_vreg.gather [hbm4b:s1+s28], $0x80, v4, vm0, $0xb8;
	[tilespmem:$0x10880] =	vst v63  }
0x6d: {  	s25 =	simm.s32 $0x4080  }
0x6e: {  	[tilespmem:s25], [sflag:$0x2] =	stream.indirect_vreg.gather [hbm4b:s6+s28], $0x80, v4, vm0, $0xb8;
	[tilespmem:$0x10880] =	vst v63  }
0x6f: {  	v4 =	vld [tilespmem:$0x20];
	_ =	sdelay $0x4  }
0x70: {  	v5 =	vshll.u32 v4, $0x2  }
0x71: {  	v4 =	vand.u32 $0x7, v4;
	v5 =	vand.u32 $0xFFFFFFE0, v5  }
0x72: {  	v4 =	vor.u32 v4, v5  }
0x73: {  	v5 =	vperm.xlane v4, v1;
	_ =	sdelay $0x1  }
0x74: {  	v5 =	vadd.s32 v2, v5;
	_ =	sdelay $0x1  }
0x75: {  	v4 =	vperm.xlane v4, v3;
	_ =	sdelay $0x1  }
0x76: {  	s26 =	simm.s32 $0x4880;
	v4 =	vadd.s32 v2, v4  }
0x77: {  	[tilespmem:s26], [sflag:$0x3] =	stream.indirect_vreg.gather [hbm4b:s1+s28], $0x80, v5, vm0, $0xb8;
	[tilespmem:$0x10880] =	vst v63  }
0x78: {  	s29 =	simm.s32 $0x5080  }
0x79: {  	[tilespmem:s29], [sflag:$0x3] =	stream.indirect_vreg.gather [hbm4b:s6+s28], $0x80, v5, vm0, $0xb8;
	[tilespmem:$0x10880] =	vst v63  }
0x7a: {  	s30 =	simm.s32 $0x5880  }
0x7b: {  	[tilespmem:s30], [sflag:$0x3] =	stream.indirect_vreg.gather [hbm4b:s1+s28], $0x80, v4, vm0, $0xb8;
	[tilespmem:$0x10880] =	vst v63  }
0x7c: {  	s19 =	simm.s32 $0x6080  }
0x7d: {  	[tilespmem:s19], [sflag:$0x3] =	stream.indirect_vreg.gather [hbm4b:s6+s28], $0x80, v4, vm0, $0xb8;
	[tilespmem:$0x10880] =	vst v63  }
0x7e: {  	v4 =	vld [tilespmem:$0x30];
	_ =	sdelay $0x4  }
0x7f: {  	v5 =	vshll.u32 v4, $0x2  }
0x80: {  	v4 =	vand.u32 $0x7, v4;
	v5 =	vand.u32 $0xFFFFFFE0, v5  }
0x81: {  	v4 =	vor.u32 v4, v5  }
0x82: {  	v5 =	vperm.xlane v4, v1;
	_ =	sdelay $0x1  }
0x83: {  	v5 =	vadd.s32 v2, v5;
	_ =	sdelay $0x1  }
0x84: {  	v4 =	vperm.xlane v4, v3;
	_ =	sdelay $0x1  }
0x85: {  	s25 =	simm.s32 $0x6880;
	v4 =	vadd.s32 v2, v4  }
0x86: {  	[tilespmem:s25], [sflag:$0x4] =	stream.indirect_vreg.gather [hbm4b:s1+s28], $0x80, v5, vm0, $0xb8;
	[tilespmem:$0x10880] =	vst v63  }
0x87: {  	s19 =	simm.s32 $0x7080  }
0x88: {  	[tilespmem:s19], [sflag:$0x4] =	stream.indirect_vreg.gather [hbm4b:s6+s28], $0x80, v5, vm0, $0xb8;
	[tilespmem:$0x10880] =	vst v63  }
0x89: {  	s26 =	simm.s32 $0x7880  }
0x8a: {  	[tilespmem:s26], [sflag:$0x4] =	stream.indirect_vreg.gather [hbm4b:s1+s28], $0x80, v4, vm0, $0xb8;
	[tilespmem:$0x10880] =	vst v63  }
0x8b: {  	s29 =	simm.s32 $0x8080  }
0x8c: {  	[tilespmem:s29], [sflag:$0x4] =	stream.indirect_vreg.gather [hbm4b:s6+s28], $0x80, v4, vm0, $0xb8;
	[tilespmem:$0x10880] =	vst v63  }
0x8d: {  	v4 =	vld [tilespmem:$0x40];
	_ =	sdelay $0x4  }
0x8e: {  	v5 =	vshll.u32 v4, $0x2  }
0x8f: {  	v4 =	vand.u32 $0x7, v4;
	v5 =	vand.u32 $0xFFFFFFE0, v5  }
0x90: {  	v4 =	vor.u32 v4, v5  }
0x91: {  	v5 =	vperm.xlane v4, v1;
	_ =	sdelay $0x1  }
0x92: {  	v5 =	vadd.s32 v2, v5;
	_ =	sdelay $0x1  }
0x93: {  	v4 =	vperm.xlane v4, v3;
	_ =	sdelay $0x1  }
0x94: {  	s30 =	simm.s32 $0x8880;
	v4 =	vadd.s32 v2, v4  }
0x95: {  	[tilespmem:s30], [sflag:$0x5] =	stream.indirect_vreg.gather [hbm4b:s1+s28], $0x80, v5, vm0, $0xb8;
	[tilespmem:$0x10880] =	vst v63  }
0x96: {  	s22 =	simm.s32 $0x9080  }
0x97: {  	[tilespmem:s22], [sflag:$0x5] =	stream.indirect_vreg.gather [hbm4b:s6+s28], $0x80, v5, vm0, $0xb8;
	[tilespmem:$0x10880] =	vst v63  }
0x98: {  	s25 =	simm.s32 $0x9880  }
0x99: {  	[tilespmem:s25], [sflag:$0x5] =	stream.indirect_vreg.gather [hbm4b:s1+s28], $0x80, v4, vm0, $0xb8;
	[tilespmem:$0x10880] =	vst v63  }
0x9a: {  	s26 =	simm.s32 $0xA080  }
0x9b: {  	[tilespmem:s26], [sflag:$0x5] =	stream.indirect_vreg.gather [hbm4b:s6+s28], $0x80, v4, vm0, $0xb8;
	[tilespmem:$0x10880] =	vst v63  }
0x9c: {  	v4 =	vld [tilespmem:$0x50];
	_ =	sdelay $0x4  }
0x9d: {  	v5 =	vshll.u32 v4, $0x2  }
0x9e: {  	v4 =	vand.u32 $0x7, v4;
	v5 =	vand.u32 $0xFFFFFFE0, v5  }
0x9f: {  	v4 =	vor.u32 v4, v5  }
0xa0: {  	v5 =	vperm.xlane v4, v1;
	_ =	sdelay $0x1  }
0xa1: {  	v5 =	vadd.s32 v2, v5;
	_ =	sdelay $0x1  }
0xa2: {  	v4 =	vperm.xlane v4, v3;
	_ =	sdelay $0x1  }
0xa3: {  	v4 =	vadd.s32 v2, v4  }
0xa4: {  	[tilespmem:s2], [sflag:$0x6] =	stream.indirect_vreg.gather [hbm4b:s1+s28], $0x80, v5, vm0, $0xb8;
	[tilespmem:$0x10880] =	vst v63  }
0xa5: {  	s29 =	simm.s32 $0xB080  }
0xa6: {  	[tilespmem:s29], [sflag:$0x6] =	stream.indirect_vreg.gather [hbm4b:s6+s28], $0x80, v5, vm0, $0xb8;
	[tilespmem:$0x10880] =	vst v63  }
0xa7: {  	s30 =	simm.s32 $0xB880  }
0xa8: {  	[tilespmem:s30], [sflag:$0x6] =	stream.indirect_vreg.gather [hbm4b:s1+s28], $0x80, v4, vm0, $0xb8;
	[tilespmem:$0x10880] =	vst v63  }
0xa9: {  	s22 =	simm.s32 $0xC080  }
0xaa: {  	[tilespmem:s22], [sflag:$0x6] =	stream.indirect_vreg.gather [hbm4b:s6+s28], $0x80, v4, vm0, $0xb8;
	[tilespmem:$0x10880] =	vst v63  }
0xab: {  	v4 =	vld [tilespmem:$0x60];
	_ =	sdelay $0x4  }
0xac: {  	v5 =	vshll.u32 v4, $0x2  }
0xad: {  	v4 =	vand.u32 $0x7, v4;
	v5 =	vand.u32 $0xFFFFFFE0, v5  }
0xae: {  	v4 =	vor.u32 v4, v5  }
0xaf: {  	v5 =	vperm.xlane v4, v1;
	_ =	sdelay $0x1  }
0xb0: {  	v5 =	vadd.s32 v2, v5;
	_ =	sdelay $0x1  }
0xb1: {  	v4 =	vperm.xlane v4, v3;
	_ =	sdelay $0x1  }
0xb2: {  	s25 =	simm.s32 $0xC880;
	v4 =	vadd.s32 v2, v4  }
0xb3: {  	[tilespmem:s25], [sflag:$0x7] =	stream.indirect_vreg.gather [hbm4b:s1+s28], $0x80, v5, vm0, $0xb8;
	[tilespmem:$0x10880] =	vst v63  }
0xb4: {  	s26 =	simm.s32 $0xD080  }
0xb5: {  	[tilespmem:s26], [sflag:$0x7] =	stream.indirect_vreg.gather [hbm4b:s6+s28], $0x80, v5, vm0, $0xb8;
	[tilespmem:$0x10880] =	vst v63  }
0xb6: {  	s29 =	simm.s32 $0xD880  }
0xb7: {  	[tilespmem:s29], [sflag:$0x7] =	stream.indirect_vreg.gather [hbm4b:s1+s28], $0x80, v4, vm0, $0xb8;
	[tilespmem:$0x10880] =	vst v63  }
0xb8: {  	s30 =	simm.s32 $0xE080;
	s25 =	simm.s32 $0xE0  }
0xb9: {  	[tilespmem:s30], [sflag:$0x7] =	stream.indirect_vreg.gather [hbm4b:s6+s28], $0x80, v4, vm0, $0xb8;
	[tilespmem:$0x10880] =	vst v63  }
.LBB2_4:
0xba: {  	_ =	swait.ge [sflag:s31], $0x2000  }
0xbb: {  	s26 =	sadd.s32 s28, s12;
	[sflag:s31] =	ssyncset.done $0x0  }
0xbc: {  	s22 =	simm.s32 $0x880;
	p0 =	seq.s32 s28, $0x0;
	[sflag:s31] =	ssyncadd.s32 $0xFFFFE000  }
0xbd: {  	[hbm4b:s26+s3] =	stream.linear.scatter [tilespmem:s22], [sflag:$0x9], $0x2000, $0x38;
	[tilespmem:$0x10880] =	vst v63  }
0xbe: {  	s26 =	simm.s32 @!p0 $0x10  }
0xbf: {  	_ =	swait.ge @!p0 [sflag:s26], $0x2000  }
0xc0: {  	[sflag:s26] =	ssyncset.done @!p0 $0x0  }
0xc1: {  	[sflag:s26] =	ssyncadd.s32 @!p0 $0xFFFFE000  }
0xc2: {  	v4 =	vld [tilespmem:s25+$0xFFFFFF90];
	_ =	sdelay $0x4  }
0xc3: {  	v5 =	vshll.u32 v4, $0x2  }
0xc4: {  	v4 =	vand.u32 $0x7, v4;
	v5 =	vand.u32 $0xFFFFFFE0, v5  }
0xc5: {  	v4 =	vor.u32 v4, v5  }
0xc6: {  	v5 =	vperm.xlane v4, v1;
	_ =	sdelay $0x1  }
0xc7: {  	v5 =	vadd.s32 v2, v5;
	_ =	sdelay $0x1  }
0xc8: {  	v4 =	vperm.xlane v4, v3;
	_ =	sdelay $0x1  }
0xc9: {  	v4 =	vadd.s32 v2, v4  }
0xca: {  	[tilespmem:s0], [sflag:$0x8] =	stream.indirect_vreg.gather [hbm4b:s1+s3], $0x80, v5, vm0, $0xb8;
	[tilespmem:$0x10880] =	vst v63  }
0xcb: {  	s19 =	simm.s32 $0xF080  }
0xcc: {  	[tilespmem:s19], [sflag:$0x8] =	stream.indirect_vreg.gather [hbm4b:s6+s3], $0x80, v5, vm0, $0xb8;
	[tilespmem:$0x10880] =	vst v63  }
0xcd: {  	_ = 	snop  }
0xce: {  	[tilespmem:s20], [sflag:$0x8] =	stream.indirect_vreg.gather [hbm4b:s1+s3], $0x80, v4, vm0, $0xb8;
	[tilespmem:$0x10880] =	vst v63  }
0xcf: {  	_ = 	snop  }
0xd0: {  	[tilespmem:s24], [sflag:$0x8] =	stream.indirect_vreg.gather [hbm4b:s6+s3], $0x80, v4, vm0, $0xb8;
	[tilespmem:$0x10880] =	vst v63  }
0xd1: {  	_ =	swait.ge [sflag:s4], $0x2000  }
0xd2: {  	s29 =	sadd.s32 s28, s13;
	p0 =	seq.s32 s28, $0x1E000;
	[sflag:s4] =	ssyncset.done $0x0  }
0xd3: {  	s30 =	simm.s32 $0x2880;
	s26 =	simm.s32 @p0 $0x3;
	[sflag:s4] =	ssyncadd.s32 $0xFFFFE000  }
0xd4: {  	[hbm4b:s29+s3] =	stream.linear.scatter [tilespmem:s30], [sflag:$0xA], $0x2000, $0x38;
	[tilespmem:$0x10880] =	vst v63  }
0xd5: {  	_ =	swait.ge @p0 [sflag:s26], $0x2000  }
0xd6: {  	[sflag:s26] =	ssyncset.done @p0 $0x0  }
0xd7: {  	s29 =	simm.s32 @p0 $0x0;
	[sflag:s26] =	ssyncadd.s32 @p0 $0xFFFFE000;
	s26 =	simm.s32 @p0 $0x4880  }
0xd8: {  	[hbm4b:s8+s29] =	stream.linear.scatter @p0 [tilespmem:s26], [sflag:$0xB], $0x2000, $0x38;
	[tilespmem:$0x10880] =	vst v63  }
0xd9: {  	s26 =	simm.s32 @!p0 $0x9  }
0xda: {  	_ =	swait.ge @!p0 [sflag:s26], $0x2000  }
0xdb: {  	[sflag:s26] =	ssyncset.done @!p0 $0x0  }
0xdc: {  	[sflag:s26] =	ssyncadd.s32 @!p0 $0xFFFFE000  }
0xdd: {  	v4 =	vld @!p0 [tilespmem:s25+$0xFFFFFFA0];
	_ =	sdelay $0x4  }
0xde: {  	v5 =	vshll.u32 @!p0 v4, $0x2  }
0xdf: {  	v6 =	vlaneseq.u32 @!p0;
	v4 =	vand.u32 @!p0 $0x7, v4;
	v5 =	vand.u32 @!p0 $0xFFFFFFE0, v5  }
0xe0: {  	v7 =	vor.u32 @!p0 v4, v5;
	v5 =	vand.u32 @!p0 $0x7, v6;
	v4 =	vshrl.u32 @!p0 v6, $0x3  }
0xe1: {  	v8 =	vperm.xlane @!p0 v7, v5;
	v4 =	vmul.u32 @!p0 $0x8, v4;
	_ =	sdelay $0x1  }
0xe2: {  	v8 =	vadd.s32 @!p0 v4, v8  }
0xe3: {  	v6 =	vor.u32 @!p0 $0x8, v6  }
0xe4: {  	v7 =	vperm.xlane @!p0 v7, v6;
	_ =	sdelay $0x1  }
0xe5: {  	vm1 =	vmmov @!p0 $0xffff;
	s22 =	simm.s32 @!p0 $0x880;
	s26 =	simm.s32 @!p0 $0x0;
	v7 =	vadd.s32 @!p0 v4, v7  }
0xe6: {  	[tilespmem:s22], [sflag:$0x1] =	stream.indirect_vreg.gather @!p0 [hbm4b:s1+s26], $0x80, v8, vm1, $0xb8;
	[tilespmem:$0x10880] =	vst v63  }
0xe7: {  	s22 =	simm.s32 @!p0 $0x1080  }
0xe8: {  	[tilespmem:s22], [sflag:$0x1] =	stream.indirect_vreg.gather @!p0 [hbm4b:s6+s26], $0x80, v8, vm1, $0xb8;
	[tilespmem:$0x10880] =	vst v63  }
0xe9: {  	s22 =	simm.s32 @!p0 $0x1880  }
0xea: {  	[tilespmem:s22], [sflag:$0x1] =	stream.indirect_vreg.gather @!p0 [hbm4b:s1+s26], $0x80, v7, vm1, $0xb8;
	[tilespmem:$0x10880] =	vst v63  }
0xeb: {  	s22 =	simm.s32 @!p0 $0x2080  }
0xec: {  	[tilespmem:s22], [sflag:$0x1] =	stream.indirect_vreg.gather @!p0 [hbm4b:s6+s26], $0x80, v7, vm1, $0xb8;
	[tilespmem:$0x10880] =	vst v63  }
0xed: {  	s22 =	simm.s32 @!p0 $0x3  }
0xee: {  	_ =	swait.ge @!p0 [sflag:s22], $0x2000  }
0xef: {  	[sflag:s22] =	ssyncset.done @!p0 $0x0  }
0xf0: {  	s30 =	simm.s32 @!p0 $0x4880;
	[sflag:s22] =	ssyncadd.s32 @!p0 $0xFFFFE000;
	s22 =	sadd.s32 @!p0 s28, s14  }
0xf1: {  	[hbm4b:s22+s26] =	stream.linear.scatter @!p0 [tilespmem:s30], [sflag:$0xB], $0x2000, $0x38;
	[tilespmem:$0x10880] =	vst v63  }
0xf2: {  	s22 =	simm.s32 @!p0 $0xA  }
0xf3: {  	_ =	swait.ge @!p0 [sflag:s22], $0x2000  }
0xf4: {  	[sflag:s22] =	ssyncset.done @!p0 $0x0  }
0xf5: {  	[sflag:s22] =	ssyncadd.s32 @!p0 $0xFFFFE000  }
0xf6: {  	v7 =	vld @!p0 [tilespmem:s25+$0xFFFFFFB0];
	_ =	sdelay $0x4  }
0xf7: {  	v8 =	vshll.u32 @!p0 v7, $0x2  }
0xf8: {  	v7 =	vand.u32 @!p0 $0x7, v7;
	v8 =	vand.u32 @!p0 $0xFFFFFFE0, v8  }
0xf9: {  	v7 =	vor.u32 @!p0 v7, v8  }
0xfa: {  	v8 =	vperm.xlane @!p0 v7, v5;
	_ =	sdelay $0x1  }
0xfb: {  	v8 =	vadd.s32 @!p0 v4, v8;
	_ =	sdelay $0x1  }
0xfc: {  	v7 =	vperm.xlane @!p0 v7, v6;
	_ =	sdelay $0x1  }
0xfd: {  	s22 =	simm.s32 @!p0 $0x2880;
	v7 =	vadd.s32 @!p0 v4, v7  }
0xfe: {  	[tilespmem:s22], [sflag:$0x2] =	stream.indirect_vreg.gather @!p0 [hbm4b:s1+s26], $0x80, v8, vm1, $0xb8;
	[tilespmem:$0x10880] =	vst v63  }
0xff: {  	s22 =	simm.s32 @!p0 $0x3080  }
0x100: {  	[tilespmem:s22], [sflag:$0x2] =	stream.indirect_vreg.gather @!p0 [hbm4b:s6+s26], $0x80, v8, vm1, $0xb8;
	[tilespmem:$0x10880] =	vst v63  }
0x101: {  	s22 =	simm.s32 @!p0 $0x3880  }
0x102: {  	[tilespmem:s22], [sflag:$0x2] =	stream.indirect_vreg.gather @!p0 [hbm4b:s1+s26], $0x80, v7, vm1, $0xb8;
	[tilespmem:$0x10880] =	vst v63  }
0x103: {  	s22 =	simm.s32 @!p0 $0x4080  }
0x104: {  	[tilespmem:s22], [sflag:$0x2] =	stream.indirect_vreg.gather @!p0 [hbm4b:s6+s26], $0x80, v7, vm1, $0xb8;
	[tilespmem:$0x10880] =	vst v63  }
0x105: {  	_ =	swait.ge [sflag:s5], $0x2000  }
0x106: {  	[sflag:s5] =	ssyncset.done $0x0  }
0x107: {  	s19 =	simm.s32 $0x6880;
	s22 =	sadd.s32 s28, s18;
	[sflag:s5] =	ssyncadd.s32 $0xFFFFE000  }
0x108: {  	[hbm4b:s22+s3] =	stream.linear.scatter [tilespmem:s19], [sflag:$0xC], $0x2000, $0x38;
	[tilespmem:$0x10880] =	vst v63  }
0x109: {  	s22 =	simm.s32 @p0 $0x5  }
0x10a: {  	_ =	swait.ge @p0 [sflag:s22], $0x2000  }
0x10b: {  	[sflag:s22] =	ssyncset.done @p0 $0x0  }
0x10c: {  	[sflag:s22] =	ssyncadd.s32 @p0 $0xFFFFE000;
	s22 =	simm.s32 @p0 $0x8880  }
0x10d: {  	[hbm4b:s9+s29] =	stream.linear.scatter @p0 [tilespmem:s22], [sflag:$0xD], $0x2000, $0x38;
	[tilespmem:$0x10880] =	vst v63  }
0x10e: {  	s22 =	simm.s32 @!p0 $0xB  }
0x10f: {  	_ =	swait.ge @!p0 [sflag:s22], $0x2000  }
0x110: {  	[sflag:s22] =	ssyncset.done @!p0 $0x0  }
0x111: {  	[sflag:s22] =	ssyncadd.s32 @!p0 $0xFFFFE000  }
0x112: {  	v7 =	vld @!p0 [tilespmem:s25+$0xFFFFFFC0];
	_ =	sdelay $0x4  }
0x113: {  	v8 =	vshll.u32 @!p0 v7, $0x2  }
0x114: {  	v7 =	vand.u32 @!p0 $0x7, v7;
	v8 =	vand.u32 @!p0 $0xFFFFFFE0, v8  }
0x115: {  	v7 =	vor.u32 @!p0 v7, v8  }
0x116: {  	v8 =	vperm.xlane @!p0 v7, v5;
	_ =	sdelay $0x1  }
0x117: {  	v8 =	vadd.s32 @!p0 v4, v8;
	_ =	sdelay $0x1  }
0x118: {  	v7 =	vperm.xlane @!p0 v7, v6;
	_ =	sdelay $0x1  }
0x119: {  	v7 =	vadd.s32 @!p0 v4, v7  }
0x11a: {  	[tilespmem:s30], [sflag:$0x3] =	stream.indirect_vreg.gather @!p0 [hbm4b:s1+s26], $0x80, v8, vm1, $0xb8;
	[tilespmem:$0x10880] =	vst v63  }
0x11b: {  	s22 =	simm.s32 @!p0 $0x5080  }
0x11c: {  	[tilespmem:s22], [sflag:$0x3] =	stream.indirect_vreg.gather @!p0 [hbm4b:s6+s26], $0x80, v8, vm1, $0xb8;
	[tilespmem:$0x10880] =	vst v63  }
0x11d: {  	s22 =	simm.s32 @!p0 $0x5880  }
0x11e: {  	[tilespmem:s22], [sflag:$0x3] =	stream.indirect_vreg.gather @!p0 [hbm4b:s1+s26], $0x80, v7, vm1, $0xb8;
	[tilespmem:$0x10880] =	vst v63  }
0x11f: {  	s22 =	simm.s32 @!p0 $0x6080  }
0x120: {  	[tilespmem:s22], [sflag:$0x3] =	stream.indirect_vreg.gather @!p0 [hbm4b:s6+s26], $0x80, v7, vm1, $0xb8;
	[tilespmem:$0x10880] =	vst v63  }
0x121: {  	s22 =	simm.s32 @!p0 $0x5  }
0x122: {  	_ =	swait.ge @!p0 [sflag:s22], $0x2000  }
0x123: {  	[sflag:s22] =	ssyncset.done @!p0 $0x0  }
0x124: {  	s30 =	simm.s32 @!p0 $0x8880;
	[sflag:s22] =	ssyncadd.s32 @!p0 $0xFFFFE000;
	s22 =	sadd.s32 @!p0 s28, s17  }
0x125: {  	[hbm4b:s22+s26] =	stream.linear.scatter @!p0 [tilespmem:s30], [sflag:$0xD], $0x2000, $0x38;
	[tilespmem:$0x10880] =	vst v63  }
0x126: {  	s22 =	simm.s32 @!p0 $0xC  }
0x127: {  	_ =	swait.ge @!p0 [sflag:s22], $0x2000  }
0x128: {  	[sflag:s22] =	ssyncset.done @!p0 $0x0  }
0x129: {  	[sflag:s22] =	ssyncadd.s32 @!p0 $0xFFFFE000  }
0x12a: {  	v7 =	vld @!p0 [tilespmem:s25+$0xFFFFFFD0];
	_ =	sdelay $0x4  }
0x12b: {  	v8 =	vshll.u32 @!p0 v7, $0x2  }
0x12c: {  	v7 =	vand.u32 @!p0 $0x7, v7;
	v8 =	vand.u32 @!p0 $0xFFFFFFE0, v8  }
0x12d: {  	v7 =	vor.u32 @!p0 v7, v8  }
0x12e: {  	v8 =	vperm.xlane @!p0 v7, v5;
	_ =	sdelay $0x1  }
0x12f: {  	v8 =	vadd.s32 @!p0 v4, v8;
	_ =	sdelay $0x1  }
0x130: {  	v7 =	vperm.xlane @!p0 v7, v6;
	_ =	sdelay $0x1  }
0x131: {  	s22 =	simm.s32 @!p0 $0x6880;
	v7 =	vadd.s32 @!p0 v4, v7  }
0x132: {  	[tilespmem:s22], [sflag:$0x4] =	stream.indirect_vreg.gather @!p0 [hbm4b:s1+s26], $0x80, v8, vm1, $0xb8;
	[tilespmem:$0x10880] =	vst v63  }
0x133: {  	s22 =	simm.s32 @!p0 $0x7080  }
0x134: {  	[tilespmem:s22], [sflag:$0x4] =	stream.indirect_vreg.gather @!p0 [hbm4b:s6+s26], $0x80, v8, vm1, $0xb8;
	[tilespmem:$0x10880] =	vst v63  }
0x135: {  	s22 =	simm.s32 @!p0 $0x7880  }
0x136: {  	[tilespmem:s22], [sflag:$0x4] =	stream.indirect_vreg.gather @!p0 [hbm4b:s1+s26], $0x80, v7, vm1, $0xb8;
	[tilespmem:$0x10880] =	vst v63  }
0x137: {  	s22 =	simm.s32 @!p0 $0x8080  }
0x138: {  	[tilespmem:s22], [sflag:$0x4] =	stream.indirect_vreg.gather @!p0 [hbm4b:s6+s26], $0x80, v7, vm1, $0xb8;
	[tilespmem:$0x10880] =	vst v63  }
0x139: {  	_ =	swait.ge [sflag:s7], $0x2000  }
0x13a: {  	[sflag:s7] =	ssyncset.done $0x0  }
0x13b: {  	s19 =	sadd.s32 s28, s16;
	s22 =	simm.s32 @p0 $0x7;
	[sflag:s7] =	ssyncadd.s32 $0xFFFFE000  }
0x13c: {  	[hbm4b:s19+s3] =	stream.linear.scatter [tilespmem:s2], [sflag:$0xE], $0x2000, $0x38;
	[tilespmem:$0x10880] =	vst v63  }
0x13d: {  	_ =	swait.ge @p0 [sflag:s22], $0x2000  }
0x13e: {  	[sflag:s22] =	ssyncset.done @p0 $0x0  }
0x13f: {  	[sflag:s22] =	ssyncadd.s32 @p0 $0xFFFFE000;
	s22 =	simm.s32 @p0 $0xC880  }
0x140: {  	[hbm4b:s10+s29] =	stream.linear.scatter @p0 [tilespmem:s22], [sflag:$0xF], $0x2000, $0x38;
	[tilespmem:$0x10880] =	vst v63  }
0x141: {  	s22 =	simm.s32 @!p0 $0xD  }
0x142: {  	_ =	swait.ge @!p0 [sflag:s22], $0x2000  }
0x143: {  	[sflag:s22] =	ssyncset.done @!p0 $0x0  }
0x144: {  	[sflag:s22] =	ssyncadd.s32 @!p0 $0xFFFFE000  }
0x145: {  	v7 =	vld @!p0 [tilespmem:s25+$0xFFFFFFE0];
	_ =	sdelay $0x4  }
0x146: {  	v8 =	vshll.u32 @!p0 v7, $0x2  }
0x147: {  	v7 =	vand.u32 @!p0 $0x7, v7;
	v8 =	vand.u32 @!p0 $0xFFFFFFE0, v8  }
0x148: {  	v7 =	vor.u32 @!p0 v7, v8  }
0x149: {  	v8 =	vperm.xlane @!p0 v7, v5;
	_ =	sdelay $0x1  }
0x14a: {  	v8 =	vadd.s32 @!p0 v4, v8;
	_ =	sdelay $0x1  }
0x14b: {  	v7 =	vperm.xlane @!p0 v7, v6;
	_ =	sdelay $0x1  }
0x14c: {  	v7 =	vadd.s32 @!p0 v4, v7  }
0x14d: {  	[tilespmem:s30], [sflag:$0x5] =	stream.indirect_vreg.gather @!p0 [hbm4b:s1+s26], $0x80, v8, vm1, $0xb8;
	[tilespmem:$0x10880] =	vst v63  }
0x14e: {  	s22 =	simm.s32 @!p0 $0x9080  }
0x14f: {  	[tilespmem:s22], [sflag:$0x5] =	stream.indirect_vreg.gather @!p0 [hbm4b:s6+s26], $0x80, v8, vm1, $0xb8;
	[tilespmem:$0x10880] =	vst v63  }
0x150: {  	s22 =	simm.s32 @!p0 $0x9880  }
0x151: {  	[tilespmem:s22], [sflag:$0x5] =	stream.indirect_vreg.gather @!p0 [hbm4b:s1+s26], $0x80, v7, vm1, $0xb8;
	[tilespmem:$0x10880] =	vst v63  }
0x152: {  	s22 =	simm.s32 @!p0 $0xA080  }
0x153: {  	[tilespmem:s22], [sflag:$0x5] =	stream.indirect_vreg.gather @!p0 [hbm4b:s6+s26], $0x80, v7, vm1, $0xb8;
	[tilespmem:$0x10880] =	vst v63  }
0x154: {  	s22 =	simm.s32 @!p0 $0x7  }
0x155: {  	_ =	swait.ge @!p0 [sflag:s22], $0x2000  }
0x156: {  	[sflag:s22] =	ssyncset.done @!p0 $0x0  }
0x157: {  	s29 =	simm.s32 @!p0 $0xC880;
	[sflag:s22] =	ssyncadd.s32 @!p0 $0xFFFFE000;
	s22 =	sadd.s32 @!p0 s28, s15  }
0x158: {  	[hbm4b:s22+s26] =	stream.linear.scatter @!p0 [tilespmem:s29], [sflag:$0xF], $0x2000, $0x38;
	[tilespmem:$0x10880] =	vst v63  }
0x159: {  	s22 =	simm.s32 @!p0 $0xE  }
0x15a: {  	_ =	swait.ge @!p0 [sflag:s22], $0x2000  }
0x15b: {  	[sflag:s22] =	ssyncset.done @!p0 $0x0  }
0x15c: {  	[sflag:s22] =	ssyncadd.s32 @!p0 $0xFFFFE000  }
0x15d: {  	v7 =	vld @!p0 [tilespmem:s25+$0xFFFFFFF0];
	_ =	sdelay $0x4  }
0x15e: {  	v8 =	vshll.u32 @!p0 v7, $0x2  }
0x15f: {  	v7 =	vand.u32 @!p0 $0x7, v7;
	v8 =	vand.u32 @!p0 $0xFFFFFFE0, v8  }
0x160: {  	v7 =	vor.u32 @!p0 v7, v8  }
0x161: {  	v5 =	vperm.xlane @!p0 v7, v5;
	_ =	sdelay $0x1  }
0x162: {  	v5 =	vadd.s32 @!p0 v4, v5;
	_ =	sdelay $0x1  }
0x163: {  	v6 =	vperm.xlane @!p0 v7, v6;
	_ =	sdelay $0x1  }
0x164: {  	s22 =	simm.s32 @!p0 $0xA880;
	v4 =	vadd.s32 @!p0 v4, v6  }
0x165: {  	[tilespmem:s22], [sflag:$0x6] =	stream.indirect_vreg.gather @!p0 [hbm4b:s1+s26], $0x80, v5, vm1, $0xb8;
	[tilespmem:$0x10880] =	vst v63  }
0x166: {  	s22 =	simm.s32 @!p0 $0xB080  }
0x167: {  	[tilespmem:s22], [sflag:$0x6] =	stream.indirect_vreg.gather @!p0 [hbm4b:s6+s26], $0x80, v5, vm1, $0xb8;
	[tilespmem:$0x10880] =	vst v63  }
0x168: {  	s22 =	simm.s32 @!p0 $0xB880  }
0x169: {  	[tilespmem:s22], [sflag:$0x6] =	stream.indirect_vreg.gather @!p0 [hbm4b:s1+s26], $0x80, v4, vm1, $0xb8;
	[tilespmem:$0x10880] =	vst v63  }
0x16a: {  	s22 =	simm.s32 @!p0 $0xC080  }
0x16b: {  	[tilespmem:s22], [sflag:$0x6] =	stream.indirect_vreg.gather @!p0 [hbm4b:s6+s26], $0x80, v4, vm1, $0xb8;
	[tilespmem:$0x10880] =	vst v63  }
.Ltmp3:
0x16c: {  	_ = 	snop;
	(pc) =	sbr.rel @p0 .LBB2_6-.Ltmp3, $4  }
0x16d: {  	_ =	swait.ge [sflag:s21], $0x2000  }
0x16e: {  	[sflag:s21] =	ssyncset.done $0x0  }
0x16f: {  	s30 =	sadd.s32 s28, s11;
	[sflag:s21] =	ssyncadd.s32 $0xFFFFE000  }
0x170: {  	[hbm4b:s30+s3] =	stream.linear.scatter [tilespmem:s0], [sflag:$0x10], $0x2000, $0x38;
	[tilespmem:$0x10880] =	vst v63  }
0x171: {  	_ =	swait.ge [sflag:s23], $0x2000  }
0x172: {  	[sflag:s23] =	ssyncset.done $0x0  }
0x173: {  	[sflag:s23] =	ssyncadd.s32 $0xFFFFE000  }
0x174: {  	v4 =	vld [tilespmem:s25+$0x0];
	_ =	sdelay $0x4  }
0x175: {  	v5 =	vshll.u32 v4, $0x2  }
0x176: {  	v4 =	vand.u32 $0x7, v4;
	v5 =	vand.u32 $0xFFFFFFE0, v5  }
0x177: {  	v4 =	vor.u32 v4, v5  }
0x178: {  	v5 =	vperm.xlane v4, v1;
	_ =	sdelay $0x1  }
0x179: {  	v5 =	vadd.s32 v2, v5;
	_ =	sdelay $0x2  }
0x17a: {  	v4 =	vperm.xlane v4, v3  }
0x17b: {  	s19 =	simm.s32 $0xC880  }
0x17c: {  	v4 =	vadd.s32 v2, v4;
	[tilespmem:s19], [sflag:$0x7] =	stream.indirect_vreg.gather [hbm4b:s1+s3], $0x80, v5, vm0, $0xb8;
	[tilespmem:$0x10880] =	vst v63  }
0x17d: {  	s26 =	simm.s32 $0xD080  }
0x17e: {  	[tilespmem:s26], [sflag:$0x7] =	stream.indirect_vreg.gather [hbm4b:s6+s3], $0x80, v5, vm0, $0xb8;
	[tilespmem:$0x10880] =	vst v63  }
.Ltmp4:
0x17f: {  	_ = 	snop;
	(pc) =	sbr.rel .LBB2_4-.Ltmp4, $4  }
0x180: {  	s29 =	simm.s32 $0xD880  }
0x181: {  	[tilespmem:s29], [sflag:$0x7] =	stream.indirect_vreg.gather [hbm4b:s1+s3], $0x80, v4, vm0, $0xb8;
	[tilespmem:$0x10880] =	vst v63  }
0x182: {  	s30 =	simm.s32 $0xE080;
	s28 =	sadd.s32 $0x2000, s28;
	s25 =	sadd.s32 $0x80, s25  }
0x183: {  	[tilespmem:s30], [sflag:$0x7] =	stream.indirect_vreg.gather [hbm4b:s6+s3], $0x80, v4, vm0, $0xb8;
	[tilespmem:$0x10880] =	vst v63  }
.LBB2_7:
0x184: {  	_ =	sfence.sel $0x180000  }
0x185: {  	[bflag:$0x0] =	sbarrier.arrive $0xFFFF  }
0x186: {  	_ =	strace $0x90000047  }
0x187: {  	s0 =	stileid.u32;
	[bflag:$0x2] =	sbarrier.arrive $0xFFFF  }
0x188: {  	p0 =	sne.s32 s0, $0x0;
	s0 =	rddreg [dreg:$0x4]  }
0x189: {  	s0 =	sadd.s32 @!p0 $0x100000, s0  }
0x18a: {  	[sflag:s0] =	ssyncadd.tile.s32 @!p0 $0x1;
	_ =	shalt  }
.Lfunc_end2:
_tile_overlayer_lowered:
.L_overlay_start_2:
0x18b: {  	(tag) =	ssettag $0x2  }
0x18c: {  	s0 =	rddreg [dreg:$0x0];
	s2 =	stileid.u32  }
0x18d: {  	s1 =	rddreg [dreg:$0x1];
	p0 =	sne.s32 s2, $0x0  }
0x18e: {  	s3 =	rddreg [dreg:$0x2];
	[bflag:$0x3] =	sbarrier.arrive $0xFFFF;
	s2 =	simm.s32 @!p0 $0x1C11  }
0x18f: {  	[timem:s3], [sflag:s2] =	dma.local @!p0 [hbm:s0], s1  }
0x190: {  	s0 =	simm.s32 @!p0 $0x11  }
0x191: {  	_ =	swait.ge @!p0 [sflag:s0], s1  }
0x192: {  	s1 =	ssub.s32 @!p0 $0x0, s1;
	[sflag:s0] =	ssyncset.done @!p0 $0x0  }
0x193: {  	[sflag:s0] =	ssyncadd.s32 @!p0 s1  }
0x194: {  	[bflag:$0x3] =	sbarrier.arrive $0xFFFF  }
0x195: {  	_ =	shalt  }

</sc_bundles>
